<compile_context>
chip_gen: v7x
topology: tpu7x:2x2x1
jax: 0.10.2.dev20260603
libtpu: 0.0.44.dev20260713+nightly
codegen_flags: <defaults>
</compile_context>

<pallas_src>
import functools

import jax
import jax.numpy as jnp
from jax import lax
from jax.experimental import pallas as pl
from jax.experimental.pallas import tpu as pltpu
from jax.experimental.pallas import tpu_sc as plsc

_TOP_K = 96
_LANES = 16
_NUM_WORKERS = 32
_UNROLL = 16


def _reduce_row(buf, h, w, acc_ref, row_local):
    nvec = w // _LANES

    def body(i, acc):
        vs = [buf[i, pl.ds(u * _LANES, _LANES)] for u in range(nvec)]
        m = [jnp.abs(v) for v in vs]
        while len(m) > 1:
            m = [jnp.maximum(m[i2], m[i2 + 1]) for i2 in range(0, len(m) - 1, 2)] + (
                [m[-1]] if len(m) % 2 else []
            )
        return jnp.maximum(acc, m[0])

    acc = lax.fori_loop(0, h, body, jnp.zeros((_LANES,), jnp.float32))
    acc_ref[pl.ds(row_local * _LANES, _LANES)] = acc


def _sc_score_kernel(rows, h, w):
    rpw = rows // _NUM_WORKERS
    mesh = plsc.VectorSubcoreMesh(core_axis_name="c", subcore_axis_name="s")

    @functools.partial(
        pl.kernel,
        mesh=mesh,
        out_type=jax.ShapeDtypeStruct((rows * _LANES,), jnp.float32),
        scratch_types=[
            pltpu.VMEM((h, w), jnp.float32),
            pltpu.VMEM((h, w), jnp.float32),
            pltpu.VMEM((rpw * _LANES,), jnp.float32),
            pltpu.SemaphoreType.DMA,
            pltpu.SemaphoreType.DMA,
        ],
    )
    def k(x_hbm, out_hbm, buf0, buf1, acc, sem0, sem1):
        wid = lax.axis_index("s") * 2 + lax.axis_index("c")
        base = wid * rpw

        pltpu.make_async_copy(x_hbm.at[base], buf0, sem0).start()

        def outer(i, _):
            r0 = base + i * 2
            pltpu.make_async_copy(x_hbm.at[r0 + 1], buf1, sem1).start()
            pltpu.make_async_copy(x_hbm.at[r0], buf0, sem0).wait()
            _reduce_row(buf0, h, w, acc, i * 2)

            @pl.when(i * 2 + 2 < rpw)
            def _():
                pltpu.make_async_copy(x_hbm.at[r0 + 2], buf0, sem0).start()

            pltpu.make_async_copy(x_hbm.at[r0 + 1], buf1, sem1).wait()
            _reduce_row(buf1, h, w, acc, i * 2 + 1)
            return 0

        lax.fori_loop(0, rpw // 2, outer, 0)
        pltpu.sync_copy(acc, out_hbm.at[pl.ds(base * _LANES, rpw * _LANES)])

    return k


def _topk_body(k: int, s_ref, o_ref, s2_ref):
    s2_ref[...] = jnp.max(s_ref[...], axis=2)
    s = s2_ref[...]
    b, c = s.shape
    si = s[:, :, None]
    sj = s[:, None, :]
    ii = lax.broadcasted_iota(jnp.int32, (b, c, c), 1)
    jj = lax.broadcasted_iota(jnp.int32, (b, c, c), 2)
    beats = (sj > si) | ((sj == si) & (jj < ii))
    rank = jnp.sum(beats.astype(jnp.int32), axis=2)
    pos = lax.broadcasted_iota(jnp.int32, (b, c, k), 2)
    chan = lax.broadcasted_iota(jnp.int32, (b, c, k), 1)
    hit = rank[:, :, None] == pos
    o_ref[...] = jnp.sum(jnp.where(hit, chan, 0), axis=1)


_GATHER_CHUNK = 16


def _gather_body(idx_ref, *refs):
    del idx_ref
    xs = refs[:-1]
    o_ref = refs[-1]
    for j, x_ref in enumerate(xs):
        o_ref[0, j] = x_ref[0, 0]


def _channel_topk_pool(x, k: int):
    b, c, h, w = x.shape
    rows = b * c
    x3 = x.reshape(rows, h, w)

    scores16 = _sc_score_kernel(rows, h, w)(x3)
    s3 = scores16.reshape(b, c, _LANES)

    idx = pl.pallas_call(
        functools.partial(_topk_body, k),
        in_specs=[pl.BlockSpec((b, c, _LANES), lambda: (0, 0, 0))],
        out_specs=pl.BlockSpec((b, k), lambda: (0, 0)),
        out_shape=jax.ShapeDtypeStruct((b, k), jnp.int32),
        scratch_shapes=[pltpu.VMEM((b, c), jnp.float32)],
    )(s3)

    g = _GATHER_CHUNK

    def _in_spec(j):
        return pl.BlockSpec(
            (1, 1, h, w),
            lambda bi, ki, idx_r: (bi, idx_r[bi, ki * g + j], 0, 0),
        )

    out = pl.pallas_call(
        _gather_body,
        grid_spec=pltpu.PrefetchScalarGridSpec(
            num_scalar_prefetch=1,
            grid=(b, k // g),
            in_specs=[_in_spec(j) for j in range(g)],
            out_specs=pl.BlockSpec(
                (1, g, h, w), lambda bi, ki, idx_r: (bi, ki, 0, 0)
            ),
        ),
        out_shape=jax.ShapeDtypeStruct((b, k, h, w), jnp.float32),
    )(idx, *([x] * g))
    return out


def kernel(x):
    return _channel_topk_pool(x, _TOP_K)

# --- scband reference (transcript-rebuilt; emitter-appended) ---
"""Pipeline reference for scband-channel-max-pool-84293028151431 (READ-ONLY COPY).

The authoritative reference and input builder live on the scoring server;
editing this copy changes nothing except your own understanding.
"""

import jax, jax.numpy as jnp
import numpy as np

TOP_K = 96

def setup_inputs(seed: int = 0) -> dict:
    key = jax.random.key(seed)
    x = jax.random.normal(key, (8, 384, 224, 224), dtype=jnp.float32)
    return {"x": x}

def reference(x):
    B, C, H, W = x.shape
    k = TOP_K
    if k >= C:
        return x
    # per-sample per-channel score: max absolute activation over spatial dims
    scores = jnp.max(jnp.abs(x).reshape(B, C, H * W), axis=2)
    # top-k channels per sample
    _, topk_idx = jax.lax.top_k(scores, k)
    # gather the selected channels (hard selection, soft=False)
    selected = jax.vmap(lambda xi, ii: jnp.take(xi, ii, axis=0))(x, topk_idx)
    return selected

if __name__ == "__main__":
    import jax
    _d = setup_inputs()
    print(jax.jit(kernel)(*tuple(_d.values())))

</pallas_src>

<mosaic_0001>
#map = affine_map<(d0, d1) -> (0, 0, 0)>
#map1 = affine_map<(d0, d1) -> (0)>
module attributes {stable_mosaic.version = 14 : i64} {
  func.func @k(%arg0: i32, %arg1: i32, %arg2: memref<3072x224x224xf32, #tpu.memory_space<hbm>>, %arg3: memref<49152xf32, #tpu.memory_space<hbm>>, %arg4: memref<224x224xf32, #tpu.memory_space<vmem>>, %arg5: memref<224x224xf32, #tpu.memory_space<vmem>>, %arg6: memref<1536xf32, #tpu.memory_space<vmem>>, %arg7: memref<!tpu.dma_semaphore, #tpu.memory_space<semaphore_mem>>, %arg8: memref<!tpu.dma_semaphore, #tpu.memory_space<semaphore_mem>>) attributes {dimension_semantics = [#tpu.dimension_semantics<core_parallel>, #tpu.dimension_semantics<subcore_parallel>], iteration_bounds = array<i64: 2, 16>, scalar_prefetch = 0 : i64, scratch_operands = 5 : i64, tpu.core_type = #tpu.core_type<sc_vector_subcore>, window_params = [{transform_indices = #map}, {transform_indices = #map1}]} {
    %mul3A = arith.constant 2 : i32
    %mul3A_0 = arith.muli %arg1, %mul3A : i32
    %add3A = arith.addi %mul3A_0, %arg0 : i32
    %mul3A_1 = arith.constant 96 : i32
    %mul3A_2 = arith.muli %add3A, %mul3A_1 : i32
    %dma_start3A = arith.constant 0 : i32
    %dma_start3A_3 = arith.constant 0 : i32
    %dma_start3A_4 = tpu.memref_slice %arg2[%mul3A_2, %dma_start3A, %dma_start3A_3] : memref<3072x224x224xf32, #tpu.memory_space<hbm>> -> memref<1x224x224xf32, #tpu.memory_space<hbm>>
    %dma_start3A_5 = tpu.memref_squeeze %dma_start3A_4 : memref<1x224x224xf32, #tpu.memory_space<hbm>> -> memref<224x224xf32, #tpu.memory_space<hbm>>
    %dma_start3A_6 = arith.constant 0 : i32
    %dma_start3A_7 = arith.constant 0 : i32
    %dma_start3A_8 = tpu.memref_slice %arg2[%mul3A_2, %dma_start3A_6, %dma_start3A_7] : memref<3072x224x224xf32, #tpu.memory_space<hbm>> -> memref<1x224x224xf32, #tpu.memory_space<hbm>>
    %dma_start3A_9 = tpu.memref_squeeze %dma_start3A_8 : memref<1x224x224xf32, #tpu.memory_space<hbm>> -> memref<224x224xf32, #tpu.memory_space<hbm>>
    tpu.enqueue_dma source(%dma_start3A_9 : memref<224x224xf32, #tpu.memory_space<hbm>>) target(%arg4 : memref<224x224xf32, #tpu.memory_space<vmem>>) target_semaphore(%arg7 : memref<!tpu.dma_semaphore, #tpu.memory_space<semaphore_mem>>)
    %scan3A = arith.constant 0 : i32
    %scan3A_10 = arith.constant 0 : i32
    %scan3A_11 = arith.constant 48 : i32
    %scan3A_12 = arith.addi %scan3A_10, %scan3A_11 : i32
    %scan3A_13 = arith.constant 1 : i32
    %scan3A_14 = scf.for %scan3A_18 = %scan3A_10 to %scan3A_12 step %scan3A_13 iter_args(%scan3A_19 = %scan3A) -> (i32)  : i32 {
      %mul3A_20 = arith.constant 2 : i32
      %mul3A_21 = arith.muli %scan3A_18, %mul3A_20 : i32
      %add3A_22 = arith.addi %mul3A_2, %mul3A_21 : i32
      %add3A_23 = arith.constant 1 : i32
      %add3A_24 = arith.addi %add3A_22, %add3A_23 : i32
      %dma_start3A_25 = arith.constant 0 : i32
      %dma_start3A_26 = arith.constant 0 : i32
      %dma_start3A_27 = tpu.memref_slice %arg2[%add3A_24, %dma_start3A_25, %dma_start3A_26] : memref<3072x224x224xf32, #tpu.memory_space<hbm>> -> memref<1x224x224xf32, #tpu.memory_space<hbm>>
      %dma_start3A_28 = tpu.memref_squeeze %dma_start3A_27 : memref<1x224x224xf32, #tpu.memory_space<hbm>> -> memref<224x224xf32, #tpu.memory_space<hbm>>
      %dma_start3A_29 = arith.constant 0 : i32
      %dma_start3A_30 = arith.constant 0 : i32
      %dma_start3A_31 = tpu.memref_slice %arg2[%add3A_24, %dma_start3A_29, %dma_start3A_30] : memref<3072x224x224xf32, #tpu.memory_space<hbm>> -> memref<1x224x224xf32, #tpu.memory_space<hbm>>
      %dma_start3A_32 = tpu.memref_squeeze %dma_start3A_31 : memref<1x224x224xf32, #tpu.memory_space<hbm>> -> memref<224x224xf32, #tpu.memory_space<hbm>>
      tpu.enqueue_dma source(%dma_start3A_32 : memref<224x224xf32, #tpu.memory_space<hbm>>) target(%arg5 : memref<224x224xf32, #tpu.memory_space<vmem>>) target_semaphore(%arg8 : memref<!tpu.dma_semaphore, #tpu.memory_space<semaphore_mem>>)
      %dma_wait3A = arith.constant 0 : i32
      %dma_wait3A_33 = arith.constant 0 : i32
      %dma_wait3A_34 = tpu.memref_slice %arg2[%add3A_22, %dma_wait3A, %dma_wait3A_33] : memref<3072x224x224xf32, #tpu.memory_space<hbm>> -> memref<1x224x224xf32, #tpu.memory_space<hbm>>
      %dma_wait3A_35 = tpu.memref_squeeze %dma_wait3A_34 : memref<1x224x224xf32, #tpu.memory_space<hbm>> -> memref<224x224xf32, #tpu.memory_space<hbm>>
      %dma_wait3A_36 = arith.constant 0 : i32
      %dma_wait3A_37 = arith.constant 0 : i32
      %dma_wait3A_38 = tpu.memref_slice %arg2[%add3A_22, %dma_wait3A_36, %dma_wait3A_37] : memref<3072x224x224xf32, #tpu.memory_space<hbm>> -> memref<1x224x224xf32, #tpu.memory_space<hbm>>
      %dma_wait3A_39 = tpu.memref_squeeze %dma_wait3A_38 : memref<1x224x224xf32, #tpu.memory_space<hbm>> -> memref<224x224xf32, #tpu.memory_space<hbm>>
      tpu.wait_dma2 semaphore(%arg7 : memref<!tpu.dma_semaphore, #tpu.memory_space<semaphore_mem>>) src(%dma_wait3A_39 : memref<224x224xf32, #tpu.memory_space<hbm>>) dst(%arg4 : memref<224x224xf32, #tpu.memory_space<vmem>>)
      %mul3A_40 = arith.constant 2 : i32
      %mul3A_41 = arith.muli %scan3A_18, %mul3A_40 : i32
      %broadcast_in_dim3A = arith.constant 0.000000e+00 : f32
      %broadcast_in_dim3A_42 = vector.broadcast %broadcast_in_dim3A : f32 to vector<16xf32>
      %scan3A_43 = arith.constant 0 : i32
      %scan3A_44 = arith.constant 224 : i32
      %scan3A_45 = arith.addi %scan3A_43, %scan3A_44 : i32
      %scan3A_46 = arith.constant 1 : i32
      %scan3A_47 = scf.for %scan3A_89 = %scan3A_43 to %scan3A_45 step %scan3A_46 iter_args(%scan3A_90 = %broadcast_in_dim3A_42) -> (vector<16xf32>)  : i32 {
        %get3A = arith.index_cast %scan3A_89 : i32 to index
        %get3A_91 = arith.constant 0 : index
        %get3A_92 = tpu.vector_load %arg4[%get3A, %get3A_91] {strides = array<i32>} : memref<224x224xf32, #tpu.memory_space<vmem>>, vector<1x16xf32>,
        %get3A_93 = vector.shape_cast %get3A_92 : vector<1x16xf32> to vector<16xf32>
        %get3A_94 = arith.index_cast %scan3A_89 : i32 to index
        %get3A_95 = arith.constant 16 : index
        %get3A_96 = tpu.vector_load %arg4[%get3A_94, %get3A_95] {strides = array<i32>} : memref<224x224xf32, #tpu.memory_space<vmem>>, vector<1x16xf32>,
        %get3A_97 = vector.shape_cast %get3A_96 : vector<1x16xf32> to vector<16xf32>
        %get3A_98 = arith.index_cast %scan3A_89 : i32 to index
        %get3A_99 = arith.constant 32 : index
        %get3A_100 = tpu.vector_load %arg4[%get3A_98, %get3A_99] {strides = array<i32>} : memref<224x224xf32, #tpu.memory_space<vmem>>, vector<1x16xf32>,
        %get3A_101 = vector.shape_cast %get3A_100 : vector<1x16xf32> to vector<16xf32>
        %get3A_102 = arith.index_cast %scan3A_89 : i32 to index
        %get3A_103 = arith.constant 48 : index
        %get3A_104 = tpu.vector_load %arg4[%get3A_102, %get3A_103] {strides = array<i32>} : memref<224x224xf32, #tpu.memory_space<vmem>>, vector<1x16xf32>,
        %get3A_105 = vector.shape_cast %get3A_104 : vector<1x16xf32> to vector<16xf32>
        %get3A_106 = arith.index_cast %scan3A_89 : i32 to index
        %get3A_107 = arith.constant 64 : index
        %get3A_108 = tpu.vector_load %arg4[%get3A_106, %get3A_107] {strides = array<i32>} : memref<224x224xf32, #tpu.memory_space<vmem>>, vector<1x16xf32>,
        %get3A_109 = vector.shape_cast %get3A_108 : vector<1x16xf32> to vector<16xf32>
        %get3A_110 = arith.index_cast %scan3A_89 : i32 to index
        %get3A_111 = arith.constant 80 : index
        %get3A_112 = tpu.vector_load %arg4[%get3A_110, %get3A_111] {strides = array<i32>} : memref<224x224xf32, #tpu.memory_space<vmem>>, vector<1x16xf32>,
        %get3A_113 = vector.shape_cast %get3A_112 : vector<1x16xf32> to vector<16xf32>
        %get3A_114 = arith.index_cast %scan3A_89 : i32 to index
        %get3A_115 = arith.constant 96 : index
        %get3A_116 = tpu.vector_load %arg4[%get3A_114, %get3A_115] {strides = array<i32>} : memref<224x224xf32, #tpu.memory_space<vmem>>, vector<1x16xf32>,
        %get3A_117 = vector.shape_cast %get3A_116 : vector<1x16xf32> to vector<16xf32>
        %get3A_118 = arith.index_cast %scan3A_89 : i32 to index
        %get3A_119 = arith.constant 112 : index
        %get3A_120 = tpu.vector_load %arg4[%get3A_118, %get3A_119] {strides = array<i32>} : memref<224x224xf32, #tpu.memory_space<vmem>>, vector<1x16xf32>,
        %get3A_121 = vector.shape_cast %get3A_120 : vector<1x16xf32> to vector<16xf32>
        %get3A_122 = arith.index_cast %scan3A_89 : i32 to index
        %get3A_123 = arith.constant 128 : index
        %get3A_124 = tpu.vector_load %arg4[%get3A_122, %get3A_123] {strides = array<i32>} : memref<224x224xf32, #tpu.memory_space<vmem>>, vector<1x16xf32>,
        %get3A_125 = vector.shape_cast %get3A_124 : vector<1x16xf32> to vector<16xf32>
        %get3A_126 = arith.index_cast %scan3A_89 : i32 to index
        %get3A_127 = arith.constant 144 : index
        %get3A_128 = tpu.vector_load %arg4[%get3A_126, %get3A_127] {strides = array<i32>} : memref<224x224xf32, #tpu.memory_space<vmem>>, vector<1x16xf32>,
        %get3A_129 = vector.shape_cast %get3A_128 : vector<1x16xf32> to vector<16xf32>
        %get3A_130 = arith.index_cast %scan3A_89 : i32 to index
        %get3A_131 = arith.constant 160 : index
        %get3A_132 = tpu.vector_load %arg4[%get3A_130, %get3A_131] {strides = array<i32>} : memref<224x224xf32, #tpu.memory_space<vmem>>, vector<1x16xf32>,
        %get3A_133 = vector.shape_cast %get3A_132 : vector<1x16xf32> to vector<16xf32>
        %get3A_134 = arith.index_cast %scan3A_89 : i32 to index
        %get3A_135 = arith.constant 176 : index
        %get3A_136 = tpu.vector_load %arg4[%get3A_134, %get3A_135] {strides = array<i32>} : memref<224x224xf32, #tpu.memory_space<vmem>>, vector<1x16xf32>,
        %get3A_137 = vector.shape_cast %get3A_136 : vector<1x16xf32> to vector<16xf32>
        %get3A_138 = arith.index_cast %scan3A_89 : i32 to index
        %get3A_139 = arith.constant 192 : index
        %get3A_140 = tpu.vector_load %arg4[%get3A_138, %get3A_139] {strides = array<i32>} : memref<224x224xf32, #tpu.memory_space<vmem>>, vector<1x16xf32>,
        %get3A_141 = vector.shape_cast %get3A_140 : vector<1x16xf32> to vector<16xf32>
        %get3A_142 = arith.index_cast %scan3A_89 : i32 to index
        %get3A_143 = arith.constant 208 : index
        %get3A_144 = tpu.vector_load %arg4[%get3A_142, %get3A_143] {strides = array<i32>} : memref<224x224xf32, #tpu.memory_space<vmem>>, vector<1x16xf32>,
        %get3A_145 = vector.shape_cast %get3A_144 : vector<1x16xf32> to vector<16xf32>
        %abs3A = math.absf %get3A_93 : vector<16xf32>
        %abs3A_146 = math.absf %get3A_97 : vector<16xf32>
        %abs3A_147 = math.absf %get3A_101 : vector<16xf32>
        %abs3A_148 = math.absf %get3A_105 : vector<16xf32>
        %abs3A_149 = math.absf %get3A_109 : vector<16xf32>
        %abs3A_150 = math.absf %get3A_113 : vector<16xf32>
        %abs3A_151 = math.absf %get3A_117 : vector<16xf32>
        %abs3A_152 = math.absf %get3A_121 : vector<16xf32>
        %abs3A_153 = math.absf %get3A_125 : vector<16xf32>
        %abs3A_154 = math.absf %get3A_129 : vector<16xf32>
        %abs3A_155 = math.absf %get3A_133 : vector<16xf32>
        %abs3A_156 = math.absf %get3A_137 : vector<16xf32>
        %abs3A_157 = math.absf %get3A_141 : vector<16xf32>
        %abs3A_158 = math.absf %get3A_145 : vector<16xf32>
        %max3A = arith.maximumf %abs3A, %abs3A_146 : vector<16xf32>
        %max3A_159 = arith.maximumf %abs3A_147, %abs3A_148 : vector<16xf32>
        %max3A_160 = arith.maximumf %abs3A_149, %abs3A_150 : vector<16xf32>
        %max3A_161 = arith.maximumf %abs3A_151, %abs3A_152 : vector<16xf32>
        %max3A_162 = arith.maximumf %abs3A_153, %abs3A_154 : vector<16xf32>
        %max3A_163 = arith.maximumf %abs3A_155, %abs3A_156 : vector<16xf32>
        %max3A_164 = arith.maximumf %abs3A_157, %abs3A_158 : vector<16xf32>
        %max3A_165 = arith.maximumf %max3A, %max3A_159 : vector<16xf32>
        %max3A_166 = arith.maximumf %max3A_160, %max3A_161 : vector<16xf32>
        %max3A_167 = arith.maximumf %max3A_162, %max3A_163 : vector<16xf32>
        %max3A_168 = arith.maximumf %max3A_165, %max3A_166 : vector<16xf32>
        %max3A_169 = arith.maximumf %max3A_167, %max3A_164 : vector<16xf32>
        %max3A_170 = arith.maximumf %max3A_168, %max3A_169 : vector<16xf32>
        %max3A_171 = arith.maximumf %scan3A_90, %max3A_170 : vector<16xf32>
        scf.yield %max3A_171 : vector<16xf32>
      }
      %scan3A_48 = arith.constant 224 : i32
      %mul3A_49 = arith.constant 16 : i32
      %mul3A_50 = arith.muli %mul3A_41, %mul3A_49 : i32
      %swap3A = arith.index_cast %mul3A_50 : i32 to index
      %swap3A_51 = tpu.vector_load %arg6[%swap3A] {strides = array<i32>} : memref<1536xf32, #tpu.memory_space<vmem>>, vector<16xf32>,
      %swap3A_52 = vector.shape_cast %swap3A_51 : vector<16xf32> to vector<16xf32>
      %swap3A_53 = vector.shape_cast %scan3A_47 : vector<16xf32> to vector<16xf32>
      tpu.vector_store %arg6[%swap3A], %swap3A_53 {strides = array<i32>} : memref<1536xf32, #tpu.memory_space<vmem>>, vector<16xf32>,
      %mul3A_54 = arith.constant 2 : i32
      %mul3A_55 = arith.muli %scan3A_18, %mul3A_54 : i32
      %add3A_56 = arith.constant 2 : i32
      %add3A_57 = arith.addi %mul3A_55, %add3A_56 : i32
      %lt3A = arith.constant 96 : i32
      %lt3A_58 = arith.cmpi slt, %add3A_57, %lt3A : i32
      %convert_element_type3A = arith.extui %lt3A_58 : i1 to i32
      %cond3A = arith.constant 0 : i32
      %cond3A_59 = arith.cmpi ne, %convert_element_type3A, %cond3A : i32
      scf.if %cond3A_59 {
        %add3A_89 = arith.constant 2 : i32
        %add3A_90 = arith.addi %add3A_22, %add3A_89 : i32
        %dma_start3A_91 = arith.constant 0 : i32
        %dma_start3A_92 = arith.constant 0 : i32
        %dma_start3A_93 = tpu.memref_slice %arg2[%add3A_90, %dma_start3A_91, %dma_start3A_92] : memref<3072x224x224xf32, #tpu.memory_space<hbm>> -> memref<1x224x224xf32, #tpu.memory_space<hbm>>
        %dma_start3A_94 = tpu.memref_squeeze %dma_start3A_93 : memref<1x224x224xf32, #tpu.memory_space<hbm>> -> memref<224x224xf32, #tpu.memory_space<hbm>>
        %dma_start3A_95 = arith.constant 0 : i32
        %dma_start3A_96 = arith.constant 0 : i32
        %dma_start3A_97 = tpu.memref_slice %arg2[%add3A_90, %dma_start3A_95, %dma_start3A_96] : memref<3072x224x224xf32, #tpu.memory_space<hbm>> -> memref<1x224x224xf32, #tpu.memory_space<hbm>>
        %dma_start3A_98 = tpu.memref_squeeze %dma_start3A_97 : memref<1x224x224xf32, #tpu.memory_space<hbm>> -> memref<224x224xf32, #tpu.memory_space<hbm>>
        tpu.enqueue_dma source(%dma_start3A_98 : memref<224x224xf32, #tpu.memory_space<hbm>>) target(%arg4 : memref<224x224xf32, #tpu.memory_space<vmem>>) target_semaphore(%arg7 : memref<!tpu.dma_semaphore, #tpu.memory_space<semaphore_mem>>)
      } else {
      }
      %add3A_60 = arith.constant 1 : i32
      %add3A_61 = arith.addi %add3A_22, %add3A_60 : i32
      %dma_wait3A_62 = arith.constant 0 : i32
      %dma_wait3A_63 = arith.constant 0 : i32
      %dma_wait3A_64 = tpu.memref_slice %arg2[%add3A_61, %dma_wait3A_62, %dma_wait3A_63] : memref<3072x224x224xf32, #tpu.memory_space<hbm>> -> memref<1x224x224xf32, #tpu.memory_space<hbm>>
      %dma_wait3A_65 = tpu.memref_squeeze %dma_wait3A_64 : memref<1x224x224xf32, #tpu.memory_space<hbm>> -> memref<224x224xf32, #tpu.memory_space<hbm>>
      %dma_wait3A_66 = arith.constant 0 : i32
      %dma_wait3A_67 = arith.constant 0 : i32
      %dma_wait3A_68 = tpu.memref_slice %arg2[%add3A_61, %dma_wait3A_66, %dma_wait3A_67] : memref<3072x224x224xf32, #tpu.memory_space<hbm>> -> memref<1x224x224xf32, #tpu.memory_space<hbm>>
      %dma_wait3A_69 = tpu.memref_squeeze %dma_wait3A_68 : memref<1x224x224xf32, #tpu.memory_space<hbm>> -> memref<224x224xf32, #tpu.memory_space<hbm>>
      tpu.wait_dma2 semaphore(%arg8 : memref<!tpu.dma_semaphore, #tpu.memory_space<semaphore_mem>>) src(%dma_wait3A_69 : memref<224x224xf32, #tpu.memory_space<hbm>>) dst(%arg5 : memref<224x224xf32, #tpu.memory_space<vmem>>)
      %mul3A_70 = arith.constant 2 : i32
      %mul3A_71 = arith.muli %scan3A_18, %mul3A_70 : i32
      %add3A_72 = arith.constant 1 : i32
      %add3A_73 = arith.addi %mul3A_71, %add3A_72 : i32
      %broadcast_in_dim3A_74 = arith.constant 0.000000e+00 : f32
      %broadcast_in_dim3A_75 = vector.broadcast %broadcast_in_dim3A_74 : f32 to vector<16xf32>
      %scan3A_76 = arith.constant 0 : i32
      %scan3A_77 = arith.constant 224 : i32
      %scan3A_78 = arith.addi %scan3A_76, %scan3A_77 : i32
      %scan3A_79 = arith.constant 1 : i32
      %scan3A_80 = scf.for %scan3A_89 = %scan3A_76 to %scan3A_78 step %scan3A_79 iter_args(%scan3A_90 = %broadcast_in_dim3A_75) -> (vector<16xf32>)  : i32 {
        %get3A = arith.index_cast %scan3A_89 : i32 to index
        %get3A_91 = arith.constant 0 : index
        %get3A_92 = tpu.vector_load %arg5[%get3A, %get3A_91] {strides = array<i32>} : memref<224x224xf32, #tpu.memory_space<vmem>>, vector<1x16xf32>,
        %get3A_93 = vector.shape_cast %get3A_92 : vector<1x16xf32> to vector<16xf32>
        %get3A_94 = arith.index_cast %scan3A_89 : i32 to index
        %get3A_95 = arith.constant 16 : index
        %get3A_96 = tpu.vector_load %arg5[%get3A_94, %get3A_95] {strides = array<i32>} : memref<224x224xf32, #tpu.memory_space<vmem>>, vector<1x16xf32>,
        %get3A_97 = vector.shape_cast %get3A_96 : vector<1x16xf32> to vector<16xf32>
        %get3A_98 = arith.index_cast %scan3A_89 : i32 to index
        %get3A_99 = arith.constant 32 : index
        %get3A_100 = tpu.vector_load %arg5[%get3A_98, %get3A_99] {strides = array<i32>} : memref<224x224xf32, #tpu.memory_space<vmem>>, vector<1x16xf32>,
        %get3A_101 = vector.shape_cast %get3A_100 : vector<1x16xf32> to vector<16xf32>
        %get3A_102 = arith.index_cast %scan3A_89 : i32 to index
        %get3A_103 = arith.constant 48 : index
        %get3A_104 = tpu.vector_load %arg5[%get3A_102, %get3A_103] {strides = array<i32>} : memref<224x224xf32, #tpu.memory_space<vmem>>, vector<1x16xf32>,
        %get3A_105 = vector.shape_cast %get3A_104 : vector<1x16xf32> to vector<16xf32>
        %get3A_106 = arith.index_cast %scan3A_89 : i32 to index
        %get3A_107 = arith.constant 64 : index
        %get3A_108 = tpu.vector_load %arg5[%get3A_106, %get3A_107] {strides = array<i32>} : memref<224x224xf32, #tpu.memory_space<vmem>>, vector<1x16xf32>,
        %get3A_109 = vector.shape_cast %get3A_108 : vector<1x16xf32> to vector<16xf32>
        %get3A_110 = arith.index_cast %scan3A_89 : i32 to index
        %get3A_111 = arith.constant 80 : index
        %get3A_112 = tpu.vector_load %arg5[%get3A_110, %get3A_111] {strides = array<i32>} : memref<224x224xf32, #tpu.memory_space<vmem>>, vector<1x16xf32>,
        %get3A_113 = vector.shape_cast %get3A_112 : vector<1x16xf32> to vector<16xf32>
        %get3A_114 = arith.index_cast %scan3A_89 : i32 to index
        %get3A_115 = arith.constant 96 : index
        %get3A_116 = tpu.vector_load %arg5[%get3A_114, %get3A_115] {strides = array<i32>} : memref<224x224xf32, #tpu.memory_space<vmem>>, vector<1x16xf32>,
        %get3A_117 = vector.shape_cast %get3A_116 : vector<1x16xf32> to vector<16xf32>
        %get3A_118 = arith.index_cast %scan3A_89 : i32 to index
        %get3A_119 = arith.constant 112 : index
        %get3A_120 = tpu.vector_load %arg5[%get3A_118, %get3A_119] {strides = array<i32>} : memref<224x224xf32, #tpu.memory_space<vmem>>, vector<1x16xf32>,
        %get3A_121 = vector.shape_cast %get3A_120 : vector<1x16xf32> to vector<16xf32>
        %get3A_122 = arith.index_cast %scan3A_89 : i32 to index
        %get3A_123 = arith.constant 128 : index
        %get3A_124 = tpu.vector_load %arg5[%get3A_122, %get3A_123] {strides = array<i32>} : memref<224x224xf32, #tpu.memory_space<vmem>>, vector<1x16xf32>,
        %get3A_125 = vector.shape_cast %get3A_124 : vector<1x16xf32> to vector<16xf32>
        %get3A_126 = arith.index_cast %scan3A_89 : i32 to index
        %get3A_127 = arith.constant 144 : index
        %get3A_128 = tpu.vector_load %arg5[%get3A_126, %get3A_127] {strides = array<i32>} : memref<224x224xf32, #tpu.memory_space<vmem>>, vector<1x16xf32>,
        %get3A_129 = vector.shape_cast %get3A_128 : vector<1x16xf32> to vector<16xf32>
        %get3A_130 = arith.index_cast %scan3A_89 : i32 to index
        %get3A_131 = arith.constant 160 : index
        %get3A_132 = tpu.vector_load %arg5[%get3A_130, %get3A_131] {strides = array<i32>} : memref<224x224xf32, #tpu.memory_space<vmem>>, vector<1x16xf32>,
        %get3A_133 = vector.shape_cast %get3A_132 : vector<1x16xf32> to vector<16xf32>
        %get3A_134 = arith.index_cast %scan3A_89 : i32 to index
        %get3A_135 = arith.constant 176 : index
        %get3A_136 = tpu.vector_load %arg5[%get3A_134, %get3A_135] {strides = array<i32>} : memref<224x224xf32, #tpu.memory_space<vmem>>, vector<1x16xf32>,
        %get3A_137 = vector.shape_cast %get3A_136 : vector<1x16xf32> to vector<16xf32>
        %get3A_138 = arith.index_cast %scan3A_89 : i32 to index
        %get3A_139 = arith.constant 192 : index
        %get3A_140 = tpu.vector_load %arg5[%get3A_138, %get3A_139] {strides = array<i32>} : memref<224x224xf32, #tpu.memory_space<vmem>>, vector<1x16xf32>,
        %get3A_141 = vector.shape_cast %get3A_140 : vector<1x16xf32> to vector<16xf32>
        %get3A_142 = arith.index_cast %scan3A_89 : i32 to index
        %get3A_143 = arith.constant 208 : index
        %get3A_144 = tpu.vector_load %arg5[%get3A_142, %get3A_143] {strides = array<i32>} : memref<224x224xf32, #tpu.memory_space<vmem>>, vector<1x16xf32>,
        %get3A_145 = vector.shape_cast %get3A_144 : vector<1x16xf32> to vector<16xf32>
        %abs3A = math.absf %get3A_93 : vector<16xf32>
        %abs3A_146 = math.absf %get3A_97 : vector<16xf32>
        %abs3A_147 = math.absf %get3A_101 : vector<16xf32>
        %abs3A_148 = math.absf %get3A_105 : vector<16xf32>
        %abs3A_149 = math.absf %get3A_109 : vector<16xf32>
        %abs3A_150 = math.absf %get3A_113 : vector<16xf32>
        %abs3A_151 = math.absf %get3A_117 : vector<16xf32>
        %abs3A_152 = math.absf %get3A_121 : vector<16xf32>
        %abs3A_153 = math.absf %get3A_125 : vector<16xf32>
        %abs3A_154 = math.absf %get3A_129 : vector<16xf32>
        %abs3A_155 = math.absf %get3A_133 : vector<16xf32>
        %abs3A_156 = math.absf %get3A_137 : vector<16xf32>
        %abs3A_157 = math.absf %get3A_141 : vector<16xf32>
        %abs3A_158 = math.absf %get3A_145 : vector<16xf32>
        %max3A = arith.maximumf %abs3A, %abs3A_146 : vector<16xf32>
        %max3A_159 = arith.maximumf %abs3A_147, %abs3A_148 : vector<16xf32>
        %max3A_160 = arith.maximumf %abs3A_149, %abs3A_150 : vector<16xf32>
        %max3A_161 = arith.maximumf %abs3A_151, %abs3A_152 : vector<16xf32>
        %max3A_162 = arith.maximumf %abs3A_153, %abs3A_154 : vector<16xf32>
        %max3A_163 = arith.maximumf %abs3A_155, %abs3A_156 : vector<16xf32>
        %max3A_164 = arith.maximumf %abs3A_157, %abs3A_158 : vector<16xf32>
        %max3A_165 = arith.maximumf %max3A, %max3A_159 : vector<16xf32>
        %max3A_166 = arith.maximumf %max3A_160, %max3A_161 : vector<16xf32>
        %max3A_167 = arith.maximumf %max3A_162, %max3A_163 : vector<16xf32>
        %max3A_168 = arith.maximumf %max3A_165, %max3A_166 : vector<16xf32>
        %max3A_169 = arith.maximumf %max3A_167, %max3A_164 : vector<16xf32>
        %max3A_170 = arith.maximumf %max3A_168, %max3A_169 : vector<16xf32>
        %max3A_171 = arith.maximumf %scan3A_90, %max3A_170 : vector<16xf32>
        scf.yield %max3A_171 : vector<16xf32>
      }
      %scan3A_81 = arith.constant 224 : i32
      %mul3A_82 = arith.constant 16 : i32
      %mul3A_83 = arith.muli %add3A_73, %mul3A_82 : i32
      %swap3A_84 = arith.index_cast %mul3A_83 : i32 to index
      %swap3A_85 = tpu.vector_load %arg6[%swap3A_84] {strides = array<i32>} : memref<1536xf32, #tpu.memory_space<vmem>>, vector<16xf32>,
      %swap3A_86 = vector.shape_cast %swap3A_85 : vector<16xf32> to vector<16xf32>
      %swap3A_87 = vector.shape_cast %scan3A_80 : vector<16xf32> to vector<16xf32>
      tpu.vector_store %arg6[%swap3A_84], %swap3A_87 {strides = array<i32>} : memref<1536xf32, #tpu.memory_space<vmem>>, vector<16xf32>,
      %scan3A_88 = arith.constant 0 : i32
      scf.yield %scan3A_88 : i32
    }
    %scan3A_15 = arith.constant 48 : i32
    %mul3A_16 = arith.constant 16 : i32
    %mul3A_17 = arith.muli %mul3A_2, %mul3A_16 : i32
    "tpu.region"() ({
      %run_scoped3A = tpu.sem_alloc : memref<!tpu.dma_semaphore, #tpu.memory_space<semaphore_mem>>
      %dma_start3A_18 = tpu.memref_slice %arg3[%mul3A_17] : memref<49152xf32, #tpu.memory_space<hbm>> -> memref<1536xf32, #tpu.memory_space<hbm>>
      %dma_start3A_19 = tpu.memref_slice %arg3[%mul3A_17] : memref<49152xf32, #tpu.memory_space<hbm>> -> memref<1536xf32, #tpu.memory_space<hbm>>
      tpu.enqueue_dma source(%arg6 : memref<1536xf32, #tpu.memory_space<vmem>>) target(%dma_start3A_19 : memref<1536xf32, #tpu.memory_space<hbm>>) target_semaphore(%run_scoped3A : memref<!tpu.dma_semaphore, #tpu.memory_space<semaphore_mem>>)
      %dma_wait3A = tpu.memref_slice %arg3[%mul3A_17] : memref<49152xf32, #tpu.memory_space<hbm>> -> memref<1536xf32, #tpu.memory_space<hbm>>
      %dma_wait3A_20 = tpu.memref_slice %arg3[%mul3A_17] : memref<49152xf32, #tpu.memory_space<hbm>> -> memref<1536xf32, #tpu.memory_space<hbm>>
      tpu.wait_dma2 semaphore(%run_scoped3A : memref<!tpu.dma_semaphore, #tpu.memory_space<semaphore_mem>>) src(%arg6 : memref<1536xf32, #tpu.memory_space<vmem>>) dst(%dma_wait3A_20 : memref<1536xf32, #tpu.memory_space<hbm>>)
      tpu.yield
    }) : () -> ()
    return
  }
}

module attributes {stable_mosaic.version = 14 : i64} {
  func.func @_topk_body(%arg0: memref<8x384x16xf32, #tpu.memory_space<vmem>>, %arg1: memref<8x96xi32, #tpu.memory_space<vmem>>, %arg2: memref<8x384xf32, #tpu.memory_space<vmem>>) attributes {dimension_semantics = [], scalar_prefetch = 0 : i64, scratch_operands = 1 : i64, tpu.core_type = #tpu.core_type<tc>} {
    %get3A = arith.constant 0 : index
    %get3A_0 = arith.constant 0 : index
    %get3A_1 = arith.constant 0 : index
    %get3A_2 = vector.load %arg0[%get3A, %get3A_0, %get3A_1] : memref<8x384x16xf32, #tpu.memory_space<vmem>>, vector<8x384x16xf32>
    %reduce_max3A = arith.constant dense<0xFF800000> : vector<8x384xf32>
    %reduce_max3A_3 = vector.multi_reduction <maximumf>, %get3A_2, %reduce_max3A [2] : vector<8x384x16xf32> to vector<8x384xf32>
    %swap3A = arith.constant 0 : index
    %swap3A_4 = arith.constant 0 : index
    %swap3A_5 = vector.load %arg2[%swap3A, %swap3A_4] : memref<8x384xf32, #tpu.memory_space<vmem>>, vector<8x384xf32>
    tpu.vector_store %arg2[%swap3A, %swap3A_4], %reduce_max3A_3 {strides = array<i32>} : memref<8x384xf32, #tpu.memory_space<vmem>>, vector<8x384xf32>,
    %get3A_6 = arith.constant 0 : index
    %get3A_7 = arith.constant 0 : index
    %get3A_8 = vector.load %arg2[%get3A_6, %get3A_7] : memref<8x384xf32, #tpu.memory_space<vmem>>, vector<8x384xf32>
    %broadcast_in_dim3A = vector.shape_cast %get3A_8 : vector<8x384xf32> to vector<8x384x1xf32>
    %broadcast_in_dim3A_9 = vector.shape_cast %get3A_8 : vector<8x384xf32> to vector<8x1x384xf32>
    %iota3A = tpu.iota {dimensions = array<i32: 1>} : vector<8x384x384xi32>
    %iota3A_10 = tpu.iota {dimensions = array<i32: 2>} : vector<8x384x384xi32>
    %gt3A = vector.broadcast %broadcast_in_dim3A_9 : vector<8x1x384xf32> to vector<8x384x384xf32>
    %gt3A_11 = vector.broadcast %broadcast_in_dim3A : vector<8x384x1xf32> to vector<8x384x384xf32>
    %gt3A_12 = arith.cmpf ogt, %gt3A, %gt3A_11 : vector<8x384x384xf32>
    %eq3A = vector.broadcast %broadcast_in_dim3A_9 : vector<8x1x384xf32> to vector<8x384x384xf32>
    %eq3A_13 = vector.broadcast %broadcast_in_dim3A : vector<8x384x1xf32> to vector<8x384x384xf32>
    %eq3A_14 = arith.cmpf oeq, %eq3A, %eq3A_13 : vector<8x384x384xf32>
    %lt3A = arith.cmpi slt, %iota3A_10, %iota3A : vector<8x384x384xi32>
    %and3A = arith.andi %eq3A_14, %lt3A : vector<8x384x384xi1>
    %or3A = arith.ori %gt3A_12, %and3A : vector<8x384x384xi1>
    %convert_element_type3A = arith.extui %or3A : vector<8x384x384xi1> to vector<8x384x384xi32>
    %reduce_sum3A = arith.constant dense<0> : vector<8x384xi32>
    %reduce_sum3A_15 = vector.multi_reduction <add>, %convert_element_type3A, %reduce_sum3A [2] : vector<8x384x384xi32> to vector<8x384xi32>
    %iota3A_16 = tpu.iota {dimensions = array<i32: 2>} : vector<8x384x96xi32>
    %iota3A_17 = tpu.iota {dimensions = array<i32: 1>} : vector<8x384x96xi32>
    %broadcast_in_dim3A_18 = vector.shape_cast %reduce_sum3A_15 : vector<8x384xi32> to vector<8x384x1xi32>
    %eq3A_19 = vector.broadcast %broadcast_in_dim3A_18 : vector<8x384x1xi32> to vector<8x384x96xi32>
    %eq3A_20 = arith.cmpi eq, %eq3A_19, %iota3A_16 : vector<8x384x96xi32>
    %jit3A = arith.constant 0 : i32
    %broadcast_in_dim3A_21 = vector.broadcast %jit3A : i32 to vector<8x384x96xi32>
    %select_n3A = arith.select %eq3A_20, %iota3A_17, %broadcast_in_dim3A_21 : vector<8x384x96xi1>, vector<8x384x96xi32>
    %reduce_sum3A_22 = arith.constant dense<0> : vector<8x96xi32>
    %reduce_sum3A_23 = vector.multi_reduction <add>, %select_n3A, %reduce_sum3A_22 [1] : vector<8x384x96xi32> to vector<8x96xi32>
    %swap3A_24 = arith.constant 0 : index
    %swap3A_25 = arith.constant 0 : index
    %swap3A_26 = vector.load %arg1[%swap3A_24, %swap3A_25] : memref<8x96xi32, #tpu.memory_space<vmem>>, vector<8x96xi32>
    tpu.vector_store %arg1[%swap3A_24, %swap3A_25], %reduce_sum3A_23 {strides = array<i32>} : memref<8x96xi32, #tpu.memory_space<vmem>>, vector<8x96xi32>,
    return
  }
}

module attributes {stable_mosaic.version = 14 : i64} {
  func.func @_gather_body(%arg0: i32, %arg1: i32, %arg2: memref<8x96xi32, #tpu.memory_space<smem>>, %arg3: memref<1x1x224x224xf32, #tpu.memory_space<vmem>>, %arg4: memref<1x1x224x224xf32, #tpu.memory_space<vmem>>, %arg5: memref<1x1x224x224xf32, #tpu.memory_space<vmem>>, %arg6: memref<1x1x224x224xf32, #tpu.memory_space<vmem>>, %arg7: memref<1x1x224x224xf32, #tpu.memory_space<vmem>>, %arg8: memref<1x1x224x224xf32, #tpu.memory_space<vmem>>, %arg9: memref<1x1x224x224xf32, #tpu.memory_space<vmem>>, %arg10: memref<1x1x224x224xf32, #tpu.memory_space<vmem>>, %arg11: memref<1x1x224x224xf32, #tpu.memory_space<vmem>>, %arg12: memref<1x1x224x224xf32, #tpu.memory_space<vmem>>, %arg13: memref<1x1x224x224xf32, #tpu.memory_space<vmem>>, %arg14: memref<1x1x224x224xf32, #tpu.memory_space<vmem>>, %arg15: memref<1x1x224x224xf32, #tpu.memory_space<vmem>>, %arg16: memref<1x1x224x224xf32, #tpu.memory_space<vmem>>, %arg17: memref<1x1x224x224xf32, #tpu.memory_space<vmem>>, %arg18: memref<1x1x224x224xf32, #tpu.memory_space<vmem>>, %arg19: memref<1x16x224x224xf32, #tpu.memory_space<vmem>>) attributes {dimension_semantics = [#tpu.dimension_semantics<arbitrary>, #tpu.dimension_semantics<arbitrary>], iteration_bounds = array<i64: 8, 6>, scalar_prefetch = 1 : i64, scratch_operands = 0 : i64, tpu.core_type = #tpu.core_type<tc>, window_params = [{transform_indices = @transform_0, window_bounds = array<i64: 1, 1, 224, 224>}, {transform_indices = @transform_1, window_bounds = array<i64: 1, 1, 224, 224>}, {transform_indices = @transform_2, window_bounds = array<i64: 1, 1, 224, 224>}, {transform_indices = @transform_3, window_bounds = array<i64: 1, 1, 224, 224>}, {transform_indices = @transform_4, window_bounds = array<i64: 1, 1, 224, 224>}, {transform_indices = @transform_5, window_bounds = array<i64: 1, 1, 224, 224>}, {transform_indices = @transform_6, window_bounds = array<i64: 1, 1, 224, 224>}, {transform_indices = @transform_7, window_bounds = array<i64: 1, 1, 224, 224>}, {transform_indices = @transform_8, window_bounds = array<i64: 1, 1, 224, 224>}, {transform_indices = @transform_9, window_bounds = array<i64: 1, 1, 224, 224>}, {transform_indices = @transform_10, window_bounds = array<i64: 1, 1, 224, 224>}, {transform_indices = @transform_11, window_bounds = array<i64: 1, 1, 224, 224>}, {transform_indices = @transform_12, window_bounds = array<i64: 1, 1, 224, 224>}, {transform_indices = @transform_13, window_bounds = array<i64: 1, 1, 224, 224>}, {transform_indices = @transform_14, window_bounds = array<i64: 1, 1, 224, 224>}, {transform_indices = @transform_15, window_bounds = array<i64: 1, 1, 224, 224>}, {transform_indices = @transform_16, window_bounds = array<i64: 1, 16, 224, 224>}]} {
    %get3A = arith.constant 0 : index
    %get3A_0 = arith.constant 0 : index
    %get3A_1 = arith.constant 0 : index
    %get3A_2 = arith.constant 0 : index
    %get3A_3 = vector.load %arg3[%get3A, %get3A_0, %get3A_1, %get3A_2] : memref<1x1x224x224xf32, #tpu.memory_space<vmem>>, vector<1x1x224x224xf32>
    %get3A_4 = vector.shape_cast %get3A_3 : vector<1x1x224x224xf32> to vector<224x224xf32>
    %swap3A = arith.constant 0 : index
    %swap3A_5 = arith.constant 0 : index
    %swap3A_6 = arith.constant 0 : index
    %swap3A_7 = arith.constant 0 : index
    %swap3A_8 = vector.load %arg19[%swap3A, %swap3A_5, %swap3A_6, %swap3A_7] : memref<1x16x224x224xf32, #tpu.memory_space<vmem>>, vector<1x1x224x224xf32>
    %swap3A_9 = vector.shape_cast %swap3A_8 : vector<1x1x224x224xf32> to vector<224x224xf32>
    %swap3A_10 = vector.shape_cast %get3A_4 : vector<224x224xf32> to vector<1x1x224x224xf32>
    tpu.vector_store %arg19[%swap3A, %swap3A_5, %swap3A_6, %swap3A_7], %swap3A_10 {strides = array<i32>} : memref<1x16x224x224xf32, #tpu.memory_space<vmem>>, vector<1x1x224x224xf32>,
    %get3A_11 = arith.constant 0 : index
    %get3A_12 = arith.constant 0 : index
    %get3A_13 = arith.constant 0 : index
    %get3A_14 = arith.constant 0 : index
    %get3A_15 = vector.load %arg4[%get3A_11, %get3A_12, %get3A_13, %get3A_14] : memref<1x1x224x224xf32, #tpu.memory_space<vmem>>, vector<1x1x224x224xf32>
    %get3A_16 = vector.shape_cast %get3A_15 : vector<1x1x224x224xf32> to vector<224x224xf32>
    %swap3A_17 = arith.constant 0 : index
    %swap3A_18 = arith.constant 1 : index
    %swap3A_19 = arith.constant 0 : index
    %swap3A_20 = arith.constant 0 : index
    %swap3A_21 = vector.load %arg19[%swap3A_17, %swap3A_18, %swap3A_19, %swap3A_20] : memref<1x16x224x224xf32, #tpu.memory_space<vmem>>, vector<1x1x224x224xf32>
    %swap3A_22 = vector.shape_cast %swap3A_21 : vector<1x1x224x224xf32> to vector<224x224xf32>
    %swap3A_23 = vector.shape_cast %get3A_16 : vector<224x224xf32> to vector<1x1x224x224xf32>
    tpu.vector_store %arg19[%swap3A_17, %swap3A_18, %swap3A_19, %swap3A_20], %swap3A_23 {strides = array<i32>} : memref<1x16x224x224xf32, #tpu.memory_space<vmem>>, vector<1x1x224x224xf32>,
    %get3A_24 = arith.constant 0 : index
    %get3A_25 = arith.constant 0 : index
    %get3A_26 = arith.constant 0 : index
    %get3A_27 = arith.constant 0 : index
    %get3A_28 = vector.load %arg5[%get3A_24, %get3A_25, %get3A_26, %get3A_27] : memref<1x1x224x224xf32, #tpu.memory_space<vmem>>, vector<1x1x224x224xf32>
    %get3A_29 = vector.shape_cast %get3A_28 : vector<1x1x224x224xf32> to vector<224x224xf32>
    %swap3A_30 = arith.constant 0 : index
    %swap3A_31 = arith.constant 2 : index
    %swap3A_32 = arith.constant 0 : index
    %swap3A_33 = arith.constant 0 : index
    %swap3A_34 = vector.load %arg19[%swap3A_30, %swap3A_31, %swap3A_32, %swap3A_33] : memref<1x16x224x224xf32, #tpu.memory_space<vmem>>, vector<1x1x224x224xf32>
    %swap3A_35 = vector.shape_cast %swap3A_34 : vector<1x1x224x224xf32> to vector<224x224xf32>
    %swap3A_36 = vector.shape_cast %get3A_29 : vector<224x224xf32> to vector<1x1x224x224xf32>
    tpu.vector_store %arg19[%swap3A_30, %swap3A_31, %swap3A_32, %swap3A_33], %swap3A_36 {strides = array<i32>} : memref<1x16x224x224xf32, #tpu.memory_space<vmem>>, vector<1x1x224x224xf32>,
    %get3A_37 = arith.constant 0 : index
    %get3A_38 = arith.constant 0 : index
    %get3A_39 = arith.constant 0 : index
    %get3A_40 = arith.constant 0 : index
    %get3A_41 = vector.load %arg6[%get3A_37, %get3A_38, %get3A_39, %get3A_40] : memref<1x1x224x224xf32, #tpu.memory_space<vmem>>, vector<1x1x224x224xf32>
    %get3A_42 = vector.shape_cast %get3A_41 : vector<1x1x224x224xf32> to vector<224x224xf32>
    %swap3A_43 = arith.constant 0 : index
    %swap3A_44 = arith.constant 3 : index
    %swap3A_45 = arith.constant 0 : index
    %swap3A_46 = arith.constant 0 : index
    %swap3A_47 = vector.load %arg19[%swap3A_43, %swap3A_44, %swap3A_45, %swap3A_46] : memref<1x16x224x224xf32, #tpu.memory_space<vmem>>, vector<1x1x224x224xf32>
    %swap3A_48 = vector.shape_cast %swap3A_47 : vector<1x1x224x224xf32> to vector<224x224xf32>
    %swap3A_49 = vector.shape_cast %get3A_42 : vector<224x224xf32> to vector<1x1x224x224xf32>
    tpu.vector_store %arg19[%swap3A_43, %swap3A_44, %swap3A_45, %swap3A_46], %swap3A_49 {strides = array<i32>} : memref<1x16x224x224xf32, #tpu.memory_space<vmem>>, vector<1x1x224x224xf32>,
    %get3A_50 = arith.constant 0 : index
    %get3A_51 = arith.constant 0 : index
    %get3A_52 = arith.constant 0 : index
    %get3A_53 = arith.constant 0 : index
    %get3A_54 = vector.load %arg7[%get3A_50, %get3A_51, %get3A_52, %get3A_53] : memref<1x1x224x224xf32, #tpu.memory_space<vmem>>, vector<1x1x224x224xf32>
    %get3A_55 = vector.shape_cast %get3A_54 : vector<1x1x224x224xf32> to vector<224x224xf32>
    %swap3A_56 = arith.constant 0 : index
    %swap3A_57 = arith.constant 4 : index
    %swap3A_58 = arith.constant 0 : index
    %swap3A_59 = arith.constant 0 : index
    %swap3A_60 = vector.load %arg19[%swap3A_56, %swap3A_57, %swap3A_58, %swap3A_59] : memref<1x16x224x224xf32, #tpu.memory_space<vmem>>, vector<1x1x224x224xf32>
    %swap3A_61 = vector.shape_cast %swap3A_60 : vector<1x1x224x224xf32> to vector<224x224xf32>
    %swap3A_62 = vector.shape_cast %get3A_55 : vector<224x224xf32> to vector<1x1x224x224xf32>
    tpu.vector_store %arg19[%swap3A_56, %swap3A_57, %swap3A_58, %swap3A_59], %swap3A_62 {strides = array<i32>} : memref<1x16x224x224xf32, #tpu.memory_space<vmem>>, vector<1x1x224x224xf32>,
    %get3A_63 = arith.constant 0 : index
    %get3A_64 = arith.constant 0 : index
    %get3A_65 = arith.constant 0 : index
    %get3A_66 = arith.constant 0 : index
    %get3A_67 = vector.load %arg8[%get3A_63, %get3A_64, %get3A_65, %get3A_66] : memref<1x1x224x224xf32, #tpu.memory_space<vmem>>, vector<1x1x224x224xf32>
    %get3A_68 = vector.shape_cast %get3A_67 : vector<1x1x224x224xf32> to vector<224x224xf32>
    %swap3A_69 = arith.constant 0 : index
    %swap3A_70 = arith.constant 5 : index
    %swap3A_71 = arith.constant 0 : index
    %swap3A_72 = arith.constant 0 : index
    %swap3A_73 = vector.load %arg19[%swap3A_69, %swap3A_70, %swap3A_71, %swap3A_72] : memref<1x16x224x224xf32, #tpu.memory_space<vmem>>, vector<1x1x224x224xf32>
    %swap3A_74 = vector.shape_cast %swap3A_73 : vector<1x1x224x224xf32> to vector<224x224xf32>
    %swap3A_75 = vector.shape_cast %get3A_68 : vector<224x224xf32> to vector<1x1x224x224xf32>
    tpu.vector_store %arg19[%swap3A_69, %swap3A_70, %swap3A_71, %swap3A_72], %swap3A_75 {strides = array<i32>} : memref<1x16x224x224xf32, #tpu.memory_space<vmem>>, vector<1x1x224x224xf32>,
    %get3A_76 = arith.constant 0 : index
    %get3A_77 = arith.constant 0 : index
    %get3A_78 = arith.constant 0 : index
    %get3A_79 = arith.constant 0 : index
    %get3A_80 = vector.load %arg9[%get3A_76, %get3A_77, %get3A_78, %get3A_79] : memref<1x1x224x224xf32, #tpu.memory_space<vmem>>, vector<1x1x224x224xf32>
    %get3A_81 = vector.shape_cast %get3A_80 : vector<1x1x224x224xf32> to vector<224x224xf32>
    %swap3A_82 = arith.constant 0 : index
    %swap3A_83 = arith.constant 6 : index
    %swap3A_84 = arith.constant 0 : index
    %swap3A_85 = arith.constant 0 : index
    %swap3A_86 = vector.load %arg19[%swap3A_82, %swap3A_83, %swap3A_84, %swap3A_85] : memref<1x16x224x224xf32, #tpu.memory_space<vmem>>, vector<1x1x224x224xf32>
    %swap3A_87 = vector.shape_cast %swap3A_86 : vector<1x1x224x224xf32> to vector<224x224xf32>
    %swap3A_88 = vector.shape_cast %get3A_81 : vector<224x224xf32> to vector<1x1x224x224xf32>
    tpu.vector_store %arg19[%swap3A_82, %swap3A_83, %swap3A_84, %swap3A_85], %swap3A_88 {strides = array<i32>} : memref<1x16x224x224xf32, #tpu.memory_space<vmem>>, vector<1x1x224x224xf32>,
    %get3A_89 = arith.constant 0 : index
    %get3A_90 = arith.constant 0 : index
    %get3A_91 = arith.constant 0 : index
    %get3A_92 = arith.constant 0 : index
    %get3A_93 = vector.load %arg10[%get3A_89, %get3A_90, %get3A_91, %get3A_92] : memref<1x1x224x224xf32, #tpu.memory_space<vmem>>, vector<1x1x224x224xf32>
    %get3A_94 = vector.shape_cast %get3A_93 : vector<1x1x224x224xf32> to vector<224x224xf32>
    %swap3A_95 = arith.constant 0 : index
    %swap3A_96 = arith.constant 7 : index
    %swap3A_97 = arith.constant 0 : index
    %swap3A_98 = arith.constant 0 : index
    %swap3A_99 = vector.load %arg19[%swap3A_95, %swap3A_96, %swap3A_97, %swap3A_98] : memref<1x16x224x224xf32, #tpu.memory_space<vmem>>, vector<1x1x224x224xf32>
    %swap3A_100 = vector.shape_cast %swap3A_99 : vector<1x1x224x224xf32> to vector<224x224xf32>
    %swap3A_101 = vector.shape_cast %get3A_94 : vector<224x224xf32> to vector<1x1x224x224xf32>
    tpu.vector_store %arg19[%swap3A_95, %swap3A_96, %swap3A_97, %swap3A_98], %swap3A_101 {strides = array<i32>} : memref<1x16x224x224xf32, #tpu.memory_space<vmem>>, vector<1x1x224x224xf32>,
    %get3A_102 = arith.constant 0 : index
    %get3A_103 = arith.constant 0 : index
    %get3A_104 = arith.constant 0 : index
    %get3A_105 = arith.constant 0 : index
    %get3A_106 = vector.load %arg11[%get3A_102, %get3A_103, %get3A_104, %get3A_105] : memref<1x1x224x224xf32, #tpu.memory_space<vmem>>, vector<1x1x224x224xf32>
    %get3A_107 = vector.shape_cast %get3A_106 : vector<1x1x224x224xf32> to vector<224x224xf32>
    %swap3A_108 = arith.constant 0 : index
    %swap3A_109 = arith.constant 8 : index
    %swap3A_110 = arith.constant 0 : index
    %swap3A_111 = arith.constant 0 : index
    %swap3A_112 = vector.load %arg19[%swap3A_108, %swap3A_109, %swap3A_110, %swap3A_111] : memref<1x16x224x224xf32, #tpu.memory_space<vmem>>, vector<1x1x224x224xf32>
    %swap3A_113 = vector.shape_cast %swap3A_112 : vector<1x1x224x224xf32> to vector<224x224xf32>
    %swap3A_114 = vector.shape_cast %get3A_107 : vector<224x224xf32> to vector<1x1x224x224xf32>
    tpu.vector_store %arg19[%swap3A_108, %swap3A_109, %swap3A_110, %swap3A_111], %swap3A_114 {strides = array<i32>} : memref<1x16x224x224xf32, #tpu.memory_space<vmem>>, vector<1x1x224x224xf32>,
    %get3A_115 = arith.constant 0 : index
    %get3A_116 = arith.constant 0 : index
    %get3A_117 = arith.constant 0 : index
    %get3A_118 = arith.constant 0 : index
    %get3A_119 = vector.load %arg12[%get3A_115, %get3A_116, %get3A_117, %get3A_118] : memref<1x1x224x224xf32, #tpu.memory_space<vmem>>, vector<1x1x224x224xf32>
    %get3A_120 = vector.shape_cast %get3A_119 : vector<1x1x224x224xf32> to vector<224x224xf32>
    %swap3A_121 = arith.constant 0 : index
    %swap3A_122 = arith.constant 9 : index
    %swap3A_123 = arith.constant 0 : index
    %swap3A_124 = arith.constant 0 : index
    %swap3A_125 = vector.load %arg19[%swap3A_121, %swap3A_122, %swap3A_123, %swap3A_124] : memref<1x16x224x224xf32, #tpu.memory_space<vmem>>, vector<1x1x224x224xf32>
    %swap3A_126 = vector.shape_cast %swap3A_125 : vector<1x1x224x224xf32> to vector<224x224xf32>
    %swap3A_127 = vector.shape_cast %get3A_120 : vector<224x224xf32> to vector<1x1x224x224xf32>
    tpu.vector_store %arg19[%swap3A_121, %swap3A_122, %swap3A_123, %swap3A_124], %swap3A_127 {strides = array<i32>} : memref<1x16x224x224xf32, #tpu.memory_space<vmem>>, vector<1x1x224x224xf32>,
    %get3A_128 = arith.constant 0 : index
    %get3A_129 = arith.constant 0 : index
    %get3A_130 = arith.constant 0 : index
    %get3A_131 = arith.constant 0 : index
    %get3A_132 = vector.load %arg13[%get3A_128, %get3A_129, %get3A_130, %get3A_131] : memref<1x1x224x224xf32, #tpu.memory_space<vmem>>, vector<1x1x224x224xf32>
    %get3A_133 = vector.shape_cast %get3A_132 : vector<1x1x224x224xf32> to vector<224x224xf32>
    %swap3A_134 = arith.constant 0 : index
    %swap3A_135 = arith.constant 10 : index
    %swap3A_136 = arith.constant 0 : index
    %swap3A_137 = arith.constant 0 : index
    %swap3A_138 = vector.load %arg19[%swap3A_134, %swap3A_135, %swap3A_136, %swap3A_137] : memref<1x16x224x224xf32, #tpu.memory_space<vmem>>, vector<1x1x224x224xf32>
    %swap3A_139 = vector.shape_cast %swap3A_138 : vector<1x1x224x224xf32> to vector<224x224xf32>
    %swap3A_140 = vector.shape_cast %get3A_133 : vector<224x224xf32> to vector<1x1x224x224xf32>
    tpu.vector_store %arg19[%swap3A_134, %swap3A_135, %swap3A_136, %swap3A_137], %swap3A_140 {strides = array<i32>} : memref<1x16x224x224xf32, #tpu.memory_space<vmem>>, vector<1x1x224x224xf32>,
    %get3A_141 = arith.constant 0 : index
    %get3A_142 = arith.constant 0 : index
    %get3A_143 = arith.constant 0 : index
    %get3A_144 = arith.constant 0 : index
    %get3A_145 = vector.load %arg14[%get3A_141, %get3A_142, %get3A_143, %get3A_144] : memref<1x1x224x224xf32, #tpu.memory_space<vmem>>, vector<1x1x224x224xf32>
    %get3A_146 = vector.shape_cast %get3A_145 : vector<1x1x224x224xf32> to vector<224x224xf32>
    %swap3A_147 = arith.constant 0 : index
    %swap3A_148 = arith.constant 11 : index
    %swap3A_149 = arith.constant 0 : index
    %swap3A_150 = arith.constant 0 : index
    %swap3A_151 = vector.load %arg19[%swap3A_147, %swap3A_148, %swap3A_149, %swap3A_150] : memref<1x16x224x224xf32, #tpu.memory_space<vmem>>, vector<1x1x224x224xf32>
    %swap3A_152 = vector.shape_cast %swap3A_151 : vector<1x1x224x224xf32> to vector<224x224xf32>
    %swap3A_153 = vector.shape_cast %get3A_146 : vector<224x224xf32> to vector<1x1x224x224xf32>
    tpu.vector_store %arg19[%swap3A_147, %swap3A_148, %swap3A_149, %swap3A_150], %swap3A_153 {strides = array<i32>} : memref<1x16x224x224xf32, #tpu.memory_space<vmem>>, vector<1x1x224x224xf32>,
    %get3A_154 = arith.constant 0 : index
    %get3A_155 = arith.constant 0 : index
    %get3A_156 = arith.constant 0 : index
    %get3A_157 = arith.constant 0 : index
    %get3A_158 = vector.load %arg15[%get3A_154, %get3A_155, %get3A_156, %get3A_157] : memref<1x1x224x224xf32, #tpu.memory_space<vmem>>, vector<1x1x224x224xf32>
    %get3A_159 = vector.shape_cast %get3A_158 : vector<1x1x224x224xf32> to vector<224x224xf32>
    %swap3A_160 = arith.constant 0 : index
    %swap3A_161 = arith.constant 12 : index
    %swap3A_162 = arith.constant 0 : index
    %swap3A_163 = arith.constant 0 : index
    %swap3A_164 = vector.load %arg19[%swap3A_160, %swap3A_161, %swap3A_162, %swap3A_163] : memref<1x16x224x224xf32, #tpu.memory_space<vmem>>, vector<1x1x224x224xf32>
    %swap3A_165 = vector.shape_cast %swap3A_164 : vector<1x1x224x224xf32> to vector<224x224xf32>
    %swap3A_166 = vector.shape_cast %get3A_159 : vector<224x224xf32> to vector<1x1x224x224xf32>
    tpu.vector_store %arg19[%swap3A_160, %swap3A_161, %swap3A_162, %swap3A_163], %swap3A_166 {strides = array<i32>} : memref<1x16x224x224xf32, #tpu.memory_space<vmem>>, vector<1x1x224x224xf32>,
    %get3A_167 = arith.constant 0 : index
    %get3A_168 = arith.constant 0 : index
    %get3A_169 = arith.constant 0 : index
    %get3A_170 = arith.constant 0 : index
    %get3A_171 = vector.load %arg16[%get3A_167, %get3A_168, %get3A_169, %get3A_170] : memref<1x1x224x224xf32, #tpu.memory_space<vmem>>, vector<1x1x224x224xf32>
    %get3A_172 = vector.shape_cast %get3A_171 : vector<1x1x224x224xf32> to vector<224x224xf32>
    %swap3A_173 = arith.constant 0 : index
    %swap3A_174 = arith.constant 13 : index
    %swap3A_175 = arith.constant 0 : index
    %swap3A_176 = arith.constant 0 : index
    %swap3A_177 = vector.load %arg19[%swap3A_173, %swap3A_174, %swap3A_175, %swap3A_176] : memref<1x16x224x224xf32, #tpu.memory_space<vmem>>, vector<1x1x224x224xf32>
    %swap3A_178 = vector.shape_cast %swap3A_177 : vector<1x1x224x224xf32> to vector<224x224xf32>
    %swap3A_179 = vector.shape_cast %get3A_172 : vector<224x224xf32> to vector<1x1x224x224xf32>
    tpu.vector_store %arg19[%swap3A_173, %swap3A_174, %swap3A_175, %swap3A_176], %swap3A_179 {strides = array<i32>} : memref<1x16x224x224xf32, #tpu.memory_space<vmem>>, vector<1x1x224x224xf32>,
    %get3A_180 = arith.constant 0 : index
    %get3A_181 = arith.constant 0 : index
    %get3A_182 = arith.constant 0 : index
    %get3A_183 = arith.constant 0 : index
    %get3A_184 = vector.load %arg17[%get3A_180, %get3A_181, %get3A_182, %get3A_183] : memref<1x1x224x224xf32, #tpu.memory_space<vmem>>, vector<1x1x224x224xf32>
    %get3A_185 = vector.shape_cast %get3A_184 : vector<1x1x224x224xf32> to vector<224x224xf32>
    %swap3A_186 = arith.constant 0 : index
    %swap3A_187 = arith.constant 14 : index
    %swap3A_188 = arith.constant 0 : index
    %swap3A_189 = arith.constant 0 : index
    %swap3A_190 = vector.load %arg19[%swap3A_186, %swap3A_187, %swap3A_188, %swap3A_189] : memref<1x16x224x224xf32, #tpu.memory_space<vmem>>, vector<1x1x224x224xf32>
    %swap3A_191 = vector.shape_cast %swap3A_190 : vector<1x1x224x224xf32> to vector<224x224xf32>
    %swap3A_192 = vector.shape_cast %get3A_185 : vector<224x224xf32> to vector<1x1x224x224xf32>
    tpu.vector_store %arg19[%swap3A_186, %swap3A_187, %swap3A_188, %swap3A_189], %swap3A_192 {strides = array<i32>} : memref<1x16x224x224xf32, #tpu.memory_space<vmem>>, vector<1x1x224x224xf32>,
    %get3A_193 = arith.constant 0 : index
    %get3A_194 = arith.constant 0 : index
    %get3A_195 = arith.constant 0 : index
    %get3A_196 = arith.constant 0 : index
    %get3A_197 = vector.load %arg18[%get3A_193, %get3A_194, %get3A_195, %get3A_196] : memref<1x1x224x224xf32, #tpu.memory_space<vmem>>, vector<1x1x224x224xf32>
    %get3A_198 = vector.shape_cast %get3A_197 : vector<1x1x224x224xf32> to vector<224x224xf32>
    %swap3A_199 = arith.constant 0 : index
    %swap3A_200 = arith.constant 15 : index
    %swap3A_201 = arith.constant 0 : index
    %swap3A_202 = arith.constant 0 : index
    %swap3A_203 = vector.load %arg19[%swap3A_199, %swap3A_200, %swap3A_201, %swap3A_202] : memref<1x16x224x224xf32, #tpu.memory_space<vmem>>, vector<1x1x224x224xf32>
    %swap3A_204 = vector.shape_cast %swap3A_203 : vector<1x1x224x224xf32> to vector<224x224xf32>
    %swap3A_205 = vector.shape_cast %get3A_198 : vector<224x224xf32> to vector<1x1x224x224xf32>
    tpu.vector_store %arg19[%swap3A_199, %swap3A_200, %swap3A_201, %swap3A_202], %swap3A_205 {strides = array<i32>} : memref<1x16x224x224xf32, #tpu.memory_space<vmem>>, vector<1x1x224x224xf32>,
    return
  }
  func.func @transform_0(%arg0: i32, %arg1: i32, %arg2: memref<8x96xi32, #tpu.memory_space<smem>>) -> (i32, i32, i32, i32) {
    %mul3A = arith.constant 16 : i32
    %mul3A_0 = arith.muli %arg1, %mul3A : i32
    %add3A = arith.constant 0 : i32
    %add3A_1 = arith.addi %mul3A_0, %add3A : i32
    %get3A = arith.index_cast %arg0 : i32 to index
    %get3A_2 = arith.index_cast %add3A_1 : i32 to index
    %get3A_3 = memref.load %arg2[%get3A, %get3A_2] : memref<8x96xi32, #tpu.memory_space<smem>>
    %c0_i32 = arith.constant 0 : i32
    %c0_i32_4 = arith.constant 0 : i32
    %c0_i32_5 = arith.constant 0 : i32
    return %arg0, %get3A_3, %c0_i32, %c0_i32_4 : i32, i32, i32, i32
  }
  func.func @transform_1(%arg0: i32, %arg1: i32, %arg2: memref<8x96xi32, #tpu.memory_space<smem>>) -> (i32, i32, i32, i32) {
    %mul3A = arith.constant 16 : i32
    %mul3A_0 = arith.muli %arg1, %mul3A : i32
    %add3A = arith.constant 1 : i32
    %add3A_1 = arith.addi %mul3A_0, %add3A : i32
    %get3A = arith.index_cast %arg0 : i32 to index
    %get3A_2 = arith.index_cast %add3A_1 : i32 to index
    %get3A_3 = memref.load %arg2[%get3A, %get3A_2] : memref<8x96xi32, #tpu.memory_space<smem>>
    %c0_i32 = arith.constant 0 : i32
    %c0_i32_4 = arith.constant 0 : i32
    %c0_i32_5 = arith.constant 0 : i32
    return %arg0, %get3A_3, %c0_i32, %c0_i32_4 : i32, i32, i32, i32
  }
  func.func @transform_2(%arg0: i32, %arg1: i32, %arg2: memref<8x96xi32, #tpu.memory_space<smem>>) -> (i32, i32, i32, i32) {
    %mul3A = arith.constant 16 : i32
    %mul3A_0 = arith.muli %arg1, %mul3A : i32
    %add3A = arith.constant 2 : i32
    %add3A_1 = arith.addi %mul3A_0, %add3A : i32
    %get3A = arith.index_cast %arg0 : i32 to index
    %get3A_2 = arith.index_cast %add3A_1 : i32 to index
    %get3A_3 = memref.load %arg2[%get3A, %get3A_2] : memref<8x96xi32, #tpu.memory_space<smem>>
    %c0_i32 = arith.constant 0 : i32
    %c0_i32_4 = arith.constant 0 : i32
    %c0_i32_5 = arith.constant 0 : i32
    return %arg0, %get3A_3, %c0_i32, %c0_i32_4 : i32, i32, i32, i32
  }
  func.func @transform_3(%arg0: i32, %arg1: i32, %arg2: memref<8x96xi32, #tpu.memory_space<smem>>) -> (i32, i32, i32, i32) {
    %mul3A = arith.constant 16 : i32
    %mul3A_0 = arith.muli %arg1, %mul3A : i32
    %add3A = arith.constant 3 : i32
    %add3A_1 = arith.addi %mul3A_0, %add3A : i32
    %get3A = arith.index_cast %arg0 : i32 to index
    %get3A_2 = arith.index_cast %add3A_1 : i32 to index
    %get3A_3 = memref.load %arg2[%get3A, %get3A_2] : memref<8x96xi32, #tpu.memory_space<smem>>
    %c0_i32 = arith.constant 0 : i32
    %c0_i32_4 = arith.constant 0 : i32
    %c0_i32_5 = arith.constant 0 : i32
    return %arg0, %get3A_3, %c0_i32, %c0_i32_4 : i32, i32, i32, i32
  }
  func.func @transform_4(%arg0: i32, %arg1: i32, %arg2: memref<8x96xi32, #tpu.memory_space<smem>>) -> (i32, i32, i32, i32) {
    %mul3A = arith.constant 16 : i32
    %mul3A_0 = arith.muli %arg1, %mul3A : i32
    %add3A = arith.constant 4 : i32
    %add3A_1 = arith.addi %mul3A_0, %add3A : i32
    %get3A = arith.index_cast %arg0 : i32 to index
    %get3A_2 = arith.index_cast %add3A_1 : i32 to index
    %get3A_3 = memref.load %arg2[%get3A, %get3A_2] : memref<8x96xi32, #tpu.memory_space<smem>>
    %c0_i32 = arith.constant 0 : i32
    %c0_i32_4 = arith.constant 0 : i32
    %c0_i32_5 = arith.constant 0 : i32
    return %arg0, %get3A_3, %c0_i32, %c0_i32_4 : i32, i32, i32, i32
  }
  func.func @transform_5(%arg0: i32, %arg1: i32, %arg2: memref<8x96xi32, #tpu.memory_space<smem>>) -> (i32, i32, i32, i32) {
    %mul3A = arith.constant 16 : i32
    %mul3A_0 = arith.muli %arg1, %mul3A : i32
    %add3A = arith.constant 5 : i32
    %add3A_1 = arith.addi %mul3A_0, %add3A : i32
    %get3A = arith.index_cast %arg0 : i32 to index
    %get3A_2 = arith.index_cast %add3A_1 : i32 to index
    %get3A_3 = memref.load %arg2[%get3A, %get3A_2] : memref<8x96xi32, #tpu.memory_space<smem>>
    %c0_i32 = arith.constant 0 : i32
    %c0_i32_4 = arith.constant 0 : i32
    %c0_i32_5 = arith.constant 0 : i32
    return %arg0, %get3A_3, %c0_i32, %c0_i32_4 : i32, i32, i32, i32
  }
  func.func @transform_6(%arg0: i32, %arg1: i32, %arg2: memref<8x96xi32, #tpu.memory_space<smem>>) -> (i32, i32, i32, i32) {
    %mul3A = arith.constant 16 : i32
    %mul3A_0 = arith.muli %arg1, %mul3A : i32
    %add3A = arith.constant 6 : i32
    %add3A_1 = arith.addi %mul3A_0, %add3A : i32
    %get3A = arith.index_cast %arg0 : i32 to index
    %get3A_2 = arith.index_cast %add3A_1 : i32 to index
    %get3A_3 = memref.load %arg2[%get3A, %get3A_2] : memref<8x96xi32, #tpu.memory_space<smem>>
    %c0_i32 = arith.constant 0 : i32
    %c0_i32_4 = arith.constant 0 : i32
    %c0_i32_5 = arith.constant 0 : i32
    return %arg0, %get3A_3, %c0_i32, %c0_i32_4 : i32, i32, i32, i32
  }
  func.func @transform_7(%arg0: i32, %arg1: i32, %arg2: memref<8x96xi32, #tpu.memory_space<smem>>) -> (i32, i32, i32, i32) {
    %mul3A = arith.constant 16 : i32
    %mul3A_0 = arith.muli %arg1, %mul3A : i32
    %add3A = arith.constant 7 : i32
    %add3A_1 = arith.addi %mul3A_0, %add3A : i32
    %get3A = arith.index_cast %arg0 : i32 to index
    %get3A_2 = arith.index_cast %add3A_1 : i32 to index
    %get3A_3 = memref.load %arg2[%get3A, %get3A_2] : memref<8x96xi32, #tpu.memory_space<smem>>
    %c0_i32 = arith.constant 0 : i32
    %c0_i32_4 = arith.constant 0 : i32
    %c0_i32_5 = arith.constant 0 : i32
    return %arg0, %get3A_3, %c0_i32, %c0_i32_4 : i32, i32, i32, i32
  }
  func.func @transform_8(%arg0: i32, %arg1: i32, %arg2: memref<8x96xi32, #tpu.memory_space<smem>>) -> (i32, i32, i32, i32) {
    %mul3A = arith.constant 16 : i32
    %mul3A_0 = arith.muli %arg1, %mul3A : i32
    %add3A = arith.constant 8 : i32
    %add3A_1 = arith.addi %mul3A_0, %add3A : i32
    %get3A = arith.index_cast %arg0 : i32 to index
    %get3A_2 = arith.index_cast %add3A_1 : i32 to index
    %get3A_3 = memref.load %arg2[%get3A, %get3A_2] : memref<8x96xi32, #tpu.memory_space<smem>>
    %c0_i32 = arith.constant 0 : i32
    %c0_i32_4 = arith.constant 0 : i32
    %c0_i32_5 = arith.constant 0 : i32
    return %arg0, %get3A_3, %c0_i32, %c0_i32_4 : i32, i32, i32, i32
  }
  func.func @transform_9(%arg0: i32, %arg1: i32, %arg2: memref<8x96xi32, #tpu.memory_space<smem>>) -> (i32, i32, i32, i32) {
    %mul3A = arith.constant 16 : i32
    %mul3A_0 = arith.muli %arg1, %mul3A : i32
    %add3A = arith.constant 9 : i32
    %add3A_1 = arith.addi %mul3A_0, %add3A : i32
    %get3A = arith.index_cast %arg0 : i32 to index
    %get3A_2 = arith.index_cast %add3A_1 : i32 to index
    %get3A_3 = memref.load %arg2[%get3A, %get3A_2] : memref<8x96xi32, #tpu.memory_space<smem>>
    %c0_i32 = arith.constant 0 : i32
    %c0_i32_4 = arith.constant 0 : i32
    %c0_i32_5 = arith.constant 0 : i32
    return %arg0, %get3A_3, %c0_i32, %c0_i32_4 : i32, i32, i32, i32
  }
  func.func @transform_10(%arg0: i32, %arg1: i32, %arg2: memref<8x96xi32, #tpu.memory_space<smem>>) -> (i32, i32, i32, i32) {
    %mul3A = arith.constant 16 : i32
    %mul3A_0 = arith.muli %arg1, %mul3A : i32
    %add3A = arith.constant 10 : i32
    %add3A_1 = arith.addi %mul3A_0, %add3A : i32
    %get3A = arith.index_cast %arg0 : i32 to index
    %get3A_2 = arith.index_cast %add3A_1 : i32 to index
    %get3A_3 = memref.load %arg2[%get3A, %get3A_2] : memref<8x96xi32, #tpu.memory_space<smem>>
    %c0_i32 = arith.constant 0 : i32
    %c0_i32_4 = arith.constant 0 : i32
    %c0_i32_5 = arith.constant 0 : i32
    return %arg0, %get3A_3, %c0_i32, %c0_i32_4 : i32, i32, i32, i32
  }
  func.func @transform_11(%arg0: i32, %arg1: i32, %arg2: memref<8x96xi32, #tpu.memory_space<smem>>) -> (i32, i32, i32, i32) {
    %mul3A = arith.constant 16 : i32
    %mul3A_0 = arith.muli %arg1, %mul3A : i32
    %add3A = arith.constant 11 : i32
    %add3A_1 = arith.addi %mul3A_0, %add3A : i32
    %get3A = arith.index_cast %arg0 : i32 to index
    %get3A_2 = arith.index_cast %add3A_1 : i32 to index
    %get3A_3 = memref.load %arg2[%get3A, %get3A_2] : memref<8x96xi32, #tpu.memory_space<smem>>
    %c0_i32 = arith.constant 0 : i32
    %c0_i32_4 = arith.constant 0 : i32
    %c0_i32_5 = arith.constant 0 : i32
    return %arg0, %get3A_3, %c0_i32, %c0_i32_4 : i32, i32, i32, i32
  }
  func.func @transform_12(%arg0: i32, %arg1: i32, %arg2: memref<8x96xi32, #tpu.memory_space<smem>>) -> (i32, i32, i32, i32) {
    %mul3A = arith.constant 16 : i32
    %mul3A_0 = arith.muli %arg1, %mul3A : i32
    %add3A = arith.constant 12 : i32
    %add3A_1 = arith.addi %mul3A_0, %add3A : i32
    %get3A = arith.index_cast %arg0 : i32 to index
    %get3A_2 = arith.index_cast %add3A_1 : i32 to index
    %get3A_3 = memref.load %arg2[%get3A, %get3A_2] : memref<8x96xi32, #tpu.memory_space<smem>>
    %c0_i32 = arith.constant 0 : i32
    %c0_i32_4 = arith.constant 0 : i32
    %c0_i32_5 = arith.constant 0 : i32
    return %arg0, %get3A_3, %c0_i32, %c0_i32_4 : i32, i32, i32, i32
  }
  func.func @transform_13(%arg0: i32, %arg1: i32, %arg2: memref<8x96xi32, #tpu.memory_space<smem>>) -> (i32, i32, i32, i32) {
    %mul3A = arith.constant 16 : i32
    %mul3A_0 = arith.muli %arg1, %mul3A : i32
    %add3A = arith.constant 13 : i32
    %add3A_1 = arith.addi %mul3A_0, %add3A : i32
    %get3A = arith.index_cast %arg0 : i32 to index
    %get3A_2 = arith.index_cast %add3A_1 : i32 to index
    %get3A_3 = memref.load %arg2[%get3A, %get3A_2] : memref<8x96xi32, #tpu.memory_space<smem>>
    %c0_i32 = arith.constant 0 : i32
    %c0_i32_4 = arith.constant 0 : i32
    %c0_i32_5 = arith.constant 0 : i32
    return %arg0, %get3A_3, %c0_i32, %c0_i32_4 : i32, i32, i32, i32
  }
  func.func @transform_14(%arg0: i32, %arg1: i32, %arg2: memref<8x96xi32, #tpu.memory_space<smem>>) -> (i32, i32, i32, i32) {
    %mul3A = arith.constant 16 : i32
    %mul3A_0 = arith.muli %arg1, %mul3A : i32
    %add3A = arith.constant 14 : i32
    %add3A_1 = arith.addi %mul3A_0, %add3A : i32
    %get3A = arith.index_cast %arg0 : i32 to index
    %get3A_2 = arith.index_cast %add3A_1 : i32 to index
    %get3A_3 = memref.load %arg2[%get3A, %get3A_2] : memref<8x96xi32, #tpu.memory_space<smem>>
    %c0_i32 = arith.constant 0 : i32
    %c0_i32_4 = arith.constant 0 : i32
    %c0_i32_5 = arith.constant 0 : i32
    return %arg0, %get3A_3, %c0_i32, %c0_i32_4 : i32, i32, i32, i32
  }
  func.func @transform_15(%arg0: i32, %arg1: i32, %arg2: memref<8x96xi32, #tpu.memory_space<smem>>) -> (i32, i32, i32, i32) {
    %mul3A = arith.constant 16 : i32
    %mul3A_0 = arith.muli %arg1, %mul3A : i32
    %add3A = arith.constant 15 : i32
    %add3A_1 = arith.addi %mul3A_0, %add3A : i32
    %get3A = arith.index_cast %arg0 : i32 to index
    %get3A_2 = arith.index_cast %add3A_1 : i32 to index
    %get3A_3 = memref.load %arg2[%get3A, %get3A_2] : memref<8x96xi32, #tpu.memory_space<smem>>
    %c0_i32 = arith.constant 0 : i32
    %c0_i32_4 = arith.constant 0 : i32
    %c0_i32_5 = arith.constant 0 : i32
    return %arg0, %get3A_3, %c0_i32, %c0_i32_4 : i32, i32, i32, i32
  }
  func.func @transform_16(%arg0: i32, %arg1: i32, %arg2: memref<8x96xi32, #tpu.memory_space<smem>>) -> (i32, i32, i32, i32) {
    %c0_i32 = arith.constant 0 : i32
    %c0_i32_0 = arith.constant 0 : i32
    %c0_i32_1 = arith.constant 0 : i32
    return %arg0, %arg1, %c0_i32, %c0_i32_0 : i32, i32, i32, i32
  }
}

</mosaic_0001>

<sc_bundles>
// kernel: kernel.5.cloned.1.call-start
scs
__scs_entry_jumppad:
0x0: {  	(pc) =	sbr.rel $0x88, $3  }
0x1: {  	(tag) =	ssettag $0x0;
	lr =	simm.s32 $0x1  }
0x2: {  	[smem:$0x3FA0] =	sst lr;
	_ =	strace $0xD0000000  }
0x3: {  	_ = 	snop  }
0x4: {  	_ = 	snop  }
0x5: {  	_ = 	snop  }
0x6: {  	_ = 	snop  }
0x7: {  	_ = 	snop  }
__scs_overlays_trampoline_lowered:
0x8: {  	[smem:$0x3FAF] =	sst s0  }
0x9: {  	[smem:$0x3FB0] =	sst s1  }
0xa: {  	[smem:$0x3FB1] =	sst s2  }
0xb: {  	[smem:$0x3FB2] =	sst s3  }
0xc: {  	[smem:$0x3FB3] =	sst s4  }
0xd: {  	[smem:$0x3FB4] =	sst s5  }
0xe: {  	[smem:$0x3FB5] =	sst s6  }
0xf: {  	[smem:$0x3FB6] =	sst s7  }
0x10: {  	[smem:$0x3FB7] =	sst s8  }
0x11: {  	[smem:$0x3FB8] =	sst s9;
	s0 =	simm.s32 @!p0 $0x0  }
0x12: {  	s1 =	sld [smem:$0x3F9E];
	s0 =	simm.s32 @p0 $0x1  }
0x13: {  	[smem:$0x3FB9] =	sst s0;
	s0 =	simm.s32 @!p1 $0x0  }
0x14: {  	s2 =	sld [smem:$0x3F9D];
	s0 =	simm.s32 @p1 $0x1  }
0x15: {  	[smem:$0x3FBA] =	sst s0;
	s0 =	simm.s32 @!p2 $0x0  }
0x16: {  	s3 =	sld [smem:$0x3FDB];
	s0 =	simm.s32 @p2 $0x1  }
0x17: {  	s4 =	simm.s32 $0x1BF5;
	[smem:$0x3FBC] =	sst s0  }
0x18: {  	s0 =	sld [smem:$0x3F9F];
	_ =	swait.ge [sflag:s4], $0x0  }
0x19: {  	s7 =	sld [smem:$0x3FA0]  }
0x1a: {  	s8 =	sadd.s32 $0xFFFFE003, lr  }
0x1b: {  	s9 =	sadd.s32 $0xFFFFFEF7, lr;
	s5 =	simm.s32 $0xFFFFFFFF;
	p2 =	slt.u32 s8, $0xFFFFF086  }
0x1c: {  	p1 =	slt.u32 s9, $0xF7A;
	s5 =	simm.s32 @!p2 $0x0  }
0x1d: {  	s5 =	simm.s32 @p1 $0x1;
	p0 =	seq.s32 s7, s2  }
0x1e: {  	s7 =	smul.u32 @!p0 $0xF7A, s2;
	p2 =	seq.s32 @!p0 s5, $0x0  }
0x1f: {  	s9 =	smul.u32 $0xF7A, s1;
	s8 =	simm.s32 @!p0 $0x1BF5;
	p2 =	por !p2, p0  }
0x20: {  	[sflag:s8] =	ssyncset.s32 @!p0 $0xFFFFF086;
	s6 =	sadd.s32 @!p0 s3, s7;
	s7 =	simm.s32 @!p0 $0x108  }
0x21: {  	s3 =	sadd.s32 s3, s9;
	s6 =	sadd.s32 @!p0 $0x88, s6;
	s7 =	simm.s32 @p2 $0x1082  }
0x22: {  	[simem:s7], [sflag:s8] =	dma.local @!p0 [hbm:s6], $0xF7A  }
0x23: {  	s9 =	sor.u32 $0xD0000000, s2;
	s6 =	simm.s32 $0x108;
	_ =	swait.ge @!p0 [sflag:s8], $0x0  }
0x24: {  	s3 =	sadd.s32 $0x88, s3;
	s6 =	simm.s32 @!p1 $0x1082;
	[sflag:s4] =	ssyncset.s32 $0xFFFFF086  }
0x25: {  	[simem:s6], [sflag:s4] =	dma.local [hbm:s3], $0xF7A  }
0x26: {  	[smem:$0x3FA0] =	sst s1;
	(tag) =	ssettag s2;
	_ =	strace s9  }
0x27: {  	s1 =	sld [smem:$0x3FB0]  }
0x28: {  	s2 =	sld [smem:$0x3FB1]  }
0x29: {  	s4 =	sld [smem:$0x3FB3]  }
0x2a: {  	p0 =	seq.s32 s5, $0x0;
	s5 =	sld [smem:$0x3FB4]  }
0x2b: {  	s6 =	sld [smem:$0x3FB5]  }
0x2c: {  	s7 =	sld [smem:$0x3FB6]  }
0x2d: {  	s3 =	simm.s32 $0x108;
	s8 =	sld [smem:$0x3FB7]  }
0x2e: {  	s3 =	simm.s32 @!p0 $0x1082;
	s9 =	sld [smem:$0x3FB8]  }
0x2f: {  	lr =	sadd.s32 s0, s3;
	s0 =	sld [smem:$0x3FAF]  }
0x30: {  	s3 =	sld [smem:$0x3FB2]  }
0x31: {  	[smem:$0x3FBB] =	sst s10  }
0x32: {  	s10 =	sld [smem:$0x3FB9];
	_ =	sdelay $0x3  }
0x33: {  	p0 =	seq.s32 s10, $0x1;
	s10 =	sld [smem:$0x3FBB];
	_ =	sdelay $0x3  }
0x34: {  	[smem:$0x3FBB] =	sst s10  }
0x35: {  	s10 =	sld [smem:$0x3FBA];
	_ =	sdelay $0x3  }
0x36: {  	p1 =	seq.s32 s10, $0x1;
	s10 =	sld [smem:$0x3FBB];
	_ =	sdelay $0x3  }
0x37: {  	[smem:$0x3FBB] =	sst s10  }
0x38: {  	s10 =	sld [smem:$0x3FBC]  }
0x39: {  	_ = 	snop;
	(pc) =	sbr.ind lr, $3  }
0x3a: {  	_ = 	snop  }
0x3b: {  	_ = 	snop  }
0x3c: {  	p2 =	seq.s32 s10, $0x1;
	s10 =	sld [smem:$0x3FBB]  }
0x3d: {  	_ =	shalt  }
0x3e: {  	_ =	shalt  }
0x3f: {  	_ =	shalt  }
0x40: {  	_ =	shalt  }
0x41: {  	_ =	shalt  }
0x42: {  	_ =	shalt  }
0x43: {  	_ =	shalt  }
0x44: {  	_ =	shalt  }
0x45: {  	_ =	shalt  }
0x46: {  	_ =	shalt  }
0x47: {  	_ =	shalt  }
0x48: {  	_ =	shalt  }
0x49: {  	_ =	shalt  }
0x4a: {  	_ =	shalt  }
0x4b: {  	_ =	shalt  }
0x4c: {  	_ =	shalt  }
0x4d: {  	_ =	shalt  }
0x4e: {  	_ =	shalt  }
0x4f: {  	_ =	shalt  }
0x50: {  	_ =	shalt  }
0x51: {  	_ =	shalt  }
0x52: {  	_ =	shalt  }
0x53: {  	_ =	shalt  }
0x54: {  	_ =	shalt  }
0x55: {  	_ =	shalt  }
0x56: {  	_ =	shalt  }
0x57: {  	_ =	shalt  }
0x58: {  	_ =	shalt  }
0x59: {  	_ =	shalt  }
0x5a: {  	_ =	shalt  }
0x5b: {  	_ =	shalt  }
0x5c: {  	_ =	shalt  }
0x5d: {  	_ =	shalt  }
0x5e: {  	_ =	shalt  }
0x5f: {  	_ =	shalt  }
0x60: {  	_ =	shalt  }
0x61: {  	_ =	shalt  }
0x62: {  	_ =	shalt  }
0x63: {  	_ =	shalt  }
0x64: {  	_ =	shalt  }
0x65: {  	_ =	shalt  }
0x66: {  	_ =	shalt  }
0x67: {  	_ =	shalt  }
0x68: {  	_ =	shalt  }
0x69: {  	_ =	shalt  }
0x6a: {  	_ =	shalt  }
0x6b: {  	_ =	shalt  }
0x6c: {  	_ =	shalt  }
0x6d: {  	_ =	shalt  }
0x6e: {  	_ =	shalt  }
0x6f: {  	_ =	shalt  }
0x70: {  	_ =	shalt  }
0x71: {  	_ =	shalt  }
0x72: {  	_ =	shalt  }
0x73: {  	_ =	shalt  }
0x74: {  	_ =	shalt  }
0x75: {  	_ =	shalt  }
0x76: {  	_ =	shalt  }
0x77: {  	_ =	shalt  }
0x78: {  	_ =	shalt  }
0x79: {  	_ =	shalt  }
0x7a: {  	_ =	shalt  }
0x7b: {  	_ =	shalt  }
0x7c: {  	_ =	shalt  }
0x7d: {  	_ =	shalt  }
0x7e: {  	_ =	shalt  }
0x7f: {  	_ =	shalt  }
0x80: {  	_ =	shalt  }
0x81: {  	_ =	shalt  }
0x82: {  	_ =	shalt  }
0x83: {  	_ =	shalt  }
0x84: {  	_ =	shalt  }
0x85: {  	_ =	shalt  }
0x86: {  	_ =	shalt  }
0x87: {  	_ =	shalt  }
.Lfunc_end0:
.L_simem_size_0:
called_computation_lowered:
.L_overlay_start_0:
0x88: {  	s2 =	sld [smem:$0x3FD9]  }
0x89: {  	s3 =	sld [smem:$0x3FFE];
	_ =	sdelay $0x1  }
0x8a: {  	s1 =	srdreg.scid  }
0x8b: {  	s0 =	sand.u32 $0x1, s1  }
0x8c: {  	s17 =	sshll.u32 s0, $0xA;
	s2 =	sadd.s32 s3, s2  }
0x8d: {  	s2 =	sadd.s32 s2, s17  }
0x8e: {  	[smem:$0x3FC7] =	sst s2  }
0x8f: {  	_ = 	snop  }
0x90: {  	s2 =	sld [smem:$0x3FD0];
	(tm) =	ssettm $0x1  }
0x91: {  	s18 =	sld [smem:$0x3FFB];
	_ =	sdelay $0x3  }
0x92: {  	_ =	strace s18  }
0x93: {  	s3 =	sld [smem:$0x3FFC];
	_ =	sdelay $0x3  }
0x94: {  	_ =	strace s3  }
0x95: {  	s3 =	sld [smem:$0x3FFD];
	_ =	sdelay $0x3  }
0x96: {  	_ =	strace s3  }
0x97: {  	_ =	strace $0x8FFFFFFF  }
0x98: {  	s19 =	sld [smem:$0x3FDB];
	_ =	sdelay $0x1  }
0x99: {  	s4 =	simm.s32 $_scs_section_size  }
0x9a: {  	s5 =	simm.s32 $_size__tile_overlayer_lowered;
	s6 =	simm.s32 $_tile_overlayer_lowered  }
0x9b: {  	s22 =	simm.s32 $0x1BFF;
	s21 =	sshll.u32 s6, $0x1;
	s3 =	sadd.s32 s4, s19  }
0x9c: {  	s7 =	simm.s32 $0x0;
	s20 =	sshll.u32 s5, $0x1;
	s5 =	sadd.s32 s21, s3  }
0x9d: {  	[timem:s7], [sflag:s22] =	dma.local [hbm:s5], s20  }
0x9e: {  	_ =	swait.ge [sflag:s22], s20  }
0x9f: {  	s4 =	ssub.s32 $0x0, s20;
	[sflag:s22] =	ssyncset.done $0x0  }
0xa0: {  	[sflag:s22] =	ssyncadd.s32 s4;
	_ =	sdelay $0x1  }
0xa1: {  	s23 =	simm.s32 $0x1B8B  }
0xa2: {  	_ =	swait.ge [sflag:s23], $0x1  }
0xa3: {  	[sflag:s23] =	ssyncset.done $0x0  }
0xa4: {  	s25 =	simm.s32 $0x1B8E;
	s24 =	sld [smem:$0x3FFE];
	[sflag:s23] =	ssyncadd.s32 $0xFFFFFFFF  }
0xa5: {  	s26 =	simm.s32 $execute0_lowered;
	[smem:$0x3FD2] =	sst s25  }
0xa6: {  	s5 =	sshll.u32 s26, $0x1;
	_ =	strace $0x80000046;
	[dreg:$0x1] =	wrdreg $0xFFFFFFFF  }
0xa7: {  	s28 =	simm.s32 $_size_execute0_lowered;
	s3 =	sadd.s32 s3, s5;
	[dreg:$0x0] =	wrdreg $0x0  }
0xa8: {  	s5 =	sshll.u32 s28, $0x1;
	[dreg:$0x2] =	wrdreg s3  }
0xa9: {  	[dreg:$0x3] =	wrdreg s5  }
0xaa: {  	[dreg:$0x4] =	wrdreg $0xC0  }
0xab: {  	_ =	task [dreg:s7], $0x5FFFF  }
0xac: {  	[dreg:$0x1] =	wrdreg $0xFFFFFFFF  }
0xad: {  	[dreg:$0x0] =	wrdreg $0x60  }
0xae: {  	[dreg:$0x2] =	wrdreg s24  }
0xaf: {  	[dreg:$0x3] =	wrdreg s2  }
0xb0: {  	[dreg:$0x4] =	wrdreg $0x9  }
0xb1: {  	_ =	task.clear_ibuf [dreg:s7], $0x5FFFF;
	_ =	strace $0x90000046  }
0xb2: {  	s29 =	simm.s32 $0x9;
	_ =	strace $0x80000048  }
0xb3: {  	_ =	swait.ge [sflag:s29], $0x1  }
0xb4: {  	[sflag:s29] =	ssyncadd.s32 $0xFFFFFFFF  }
0xb5: {  	_ =	strace $0x90000048  }
0xb6: {  	_ =	sfence  }
0xb7: {  	s30 =	sld [smem:$0x0];
	_ =	sdelay $0x2  }
0xb8: {  	s31 =	sshll.u32 s1, $0xD;
	s1 =	sshrl.u32 s1, $0x2  }
0xb9: {  	s3 =	sand.u32 $0x4000, s31;
	s1 =	sadd.s32 s1, s30  }
0xba: {  	s0 =	sor.u32 s3, s0;
	s1 =	sshll.u32 s1, $0x11  }
0xbb: {  	s0 =	sor.u32 s1, s0  }
0xbc: {  	s0 =	sadd.s32 $0x8F2B, s0  }
0xbd: {  	[sflag:s0] =	ssyncadd.remote.s32 $0x1  }
0xbe: {  	_ =	sfence.sel $0xFFFF  }
0xbf: {  	[dreg:$0x0] =	wrdreg $0xFFFFFFFF;
	(pc) =	sbr.abs _section_cstart, $3  }
0xc0: {  	[dreg:$0x1] =	wrdreg $0xFFFFFFFF  }
0xc1: {  	_ =	task.clear_ibuf [dreg:s7], $0x2FFFF;
	_ =	strace $0x9FFFFFFF  }
0xc2: {  	(tm) =	ssettm $0x7FFFFFFF  }
0xc3: {  	_ =	shalt  }
tec
execute0_lowered:
.L_overlay_start_1:
0x0: {  	(tag) =	ssettag $0x1  }
0x1: {  	s3 =	rddreg [dreg:$0x0]  }
0x2: {  	s1 =	srdreg.scid;
	s0 =	stileid.u32  }
0x3: {  	s6 =	rddreg [dreg:$0x1];
	s2 =	simm.s32 $0x0;
	s10 =	simm.s32 $0x2  }
0x4: {  	s11 =	simm.s32 $0x1C000;
	s4 =	sand.u32 $0x1, s1;
	s5 =	sshll.u32 s0, $0x1  }
0x5: {  	s12 =	simm.s32 $0x3;
	s13 =	simm.s32 $0x0;
	s5 =	sor.u32 s4, s5  }
0x6: {  	s1 =	rddreg [dreg:$0x2];
	s4 =	ssub.s32 $0x2, s4;
	s7 =	smul.u32 $0xA8000, s5  }
0x7: {  	[smem:$0x7FF] =	sst s2;
	s8 =	sshrl.u32 s4, $0x1;
	s9 =	smul.u32 $0xC0, s5  }
0x8: {  	s3 =	sadd.s32 $0x400, s3;
	_ =	strace $0x80000047;
	s8 =	ssub.s32 s4, s8  }
0x9: {  	s4 =	smul.u32 $0x60, s5;
	s5 =	sadd.s32 s3, s7;
	s6 =	sadd.s32 s6, s9  }
0xa: {  	s7 =	smax.u32 s8, $0x1;
	s8 =	simm.s32 $0xE000;
	s9 =	simm.s32 $0x1  }
.LBB2_1:
0xb: {  	[tilespmem:s2], [sflag:$0x1] =	stream.linear.gather [hbm4b:s5+s2], $0xE000, $0x38;
	[tilespmem:$0x1C600] =	vst v63  }
0xc: {  	s14 =	simm.s32 $0x0  }
.LBB2_2:
0xd: {  	s15 =	sshll.u32 s14, $0x1  }
0xe: {  	s15 =	sadd.s32 s4, s15  }
0xf: {  	s15 =	smul.u32 $0xE000, s15;
	_ =	sdelay $0x1  }
0x10: {  	s16 =	sshrl.u32 s15, $0x3  }
0x11: {  	s16 =	sadd.s32 s3, s16  }
0x12: {  	s17 =	simm.s32 $0x0;
	s16 =	sadd.s32 $0x1C00, s16  }
0x13: {  	[tilespmem:s8], [sflag:$0x2] =	stream.linear.gather [hbm4b:s16+s17], $0xE000, $0x38;
	[tilespmem:$0x1C600] =	vst v63  }
0x14: {  	_ =	swait.ge [sflag:s9], $0xE000  }
0x15: {  	s31 =	sand.u32 $0xF800, s17;
	s17 =	sand.u32 $0x380, s17;
	[sflag:s9] =	ssyncset.done $0x0  }
0x16: {  	s16 =	sor.u32 s17, s31;
	[sflag:s9] =	ssyncadd.s32 $0xFFFF2000  }
0x17: {  	v1 =	vld [tilespmem:s16+$0x450]  }
0x18: {  	v2 =	vld [tilespmem:s16+$0x430]  }
0x19: {  	v6 =	vld [tilespmem:s16+$0x420]  }
0x1a: {  	v0 =	vld [tilespmem:s16+$0x410]  }
0x1b: {  	v8 =	vld [tilespmem:s16+$0x400]  }
0x1c: {  	v3 =	vld [tilespmem:s16+$0x70]  }
0x1d: {  	v7 =	vld [tilespmem:s16+$0x50]  }
0x1e: {  	v4 =	vld [tilespmem:s16+$0x40]  }
0x1f: {  	v5 =	vld [tilespmem:s16+$0x60]  }
0x20: {  	v11 =	vld [tilespmem:s16+$0x20]  }
0x21: {  	v9 =	vld [tilespmem:s16+$0x10];
	v10 =	vand.u32 $0x7FFFFFFF, v8;
	v12 =	vand.u32 $0x7FFFFFFF, v0  }
0x22: {  	s18 =	simm.s32 $0x100;
	s17 =	simm.s32 $0x80;
	v0 =	vimm.f32 $0.0e+00;
	v8 =	vand.u32 $0x7FFFFFFF, v6;
	v6 =	vmax.f32 v10, v12;
	v10 =	vld [tilespmem:s16+$0x0]  }
.LBB2_3:
0x23: {  	s21 =	smov.u32 s18  }
0x24: {  	s19 =	sand.u32 $0xF800, s18;
	s20 =	sand.u32 $0x380, s17;
	v12 =	vld [tilespmem:s16+$0x30];
	s21 =	sadd.s32 $0x100, s18  }
0x25: {  	p0 =	sne.s32 s18, $0xDF00;
	v7 =	vand.u32 $0x7FFFFFFF, v7;
	v2 =	vand.u32 $0x7FFFFFFF, v2;
	v14 =	vand.u32 $0x7FFFFFFF, v1;
	v13 =	vld [tilespmem:s16+$0x440];
	s16 =	sor.u32 s20, s19  }
0x26: {  	v3 =	vand.u32 $0x7FFFFFFF, v3;
	v8 =	vmax.f32 v8, v2;
	v11 =	vand.u32 $0x7FFFFFFF, v11;
	v1 =	vld [tilespmem:s16+$0x450]  }
0x27: {  	v4 =	vand.u32 $0x7FFFFFFF, v4;
	v5 =	vand.u32 $0x7FFFFFFF, v5;
	v9 =	vand.u32 $0x7FFFFFFF, v9;
	v2 =	vld [tilespmem:s16+$0x430]  }
0x28: {  	v3 =	vmax.f32 v5, v3;
	v5 =	vmax.f32 v6, v8;
	v10 =	vand.u32 $0x7FFFFFFF, v10;
	v15 =	vld [tilespmem:s16+$0x420]  }
0x29: {  	v4 =	vmax.f32 v4, v7;
	v8 =	vand.u32 $0x7FFFFFFF, v12;
	v9 =	vmax.f32 v10, v9;
	v6 =	vld [tilespmem:s16+$0x410]  }
0x2a: {  	v4 =	vmax.f32 v4, v3;
	v8 =	vmax.f32 v11, v8;
	v10 =	vld [tilespmem:s16+$0x400];
	v7 =	vand.u32 $0x7FFFFFFF, v13  }
0x2b: {  	v8 =	vmax.f32 v9, v8;
	v3 =	vld [tilespmem:s16+$0x70];
	v11 =	vmax.f32 v7, v14  }
0x2c: {  	v9 =	vmax.f32 v8, v4;
	v7 =	vld [tilespmem:s16+$0x50];
	v5 =	vmax.f32 v5, v11  }
.Ltmp0:
0x2d: {  	v4 =	vld [tilespmem:s16+$0x40];
	v8 =	vand.u32 $0x7FFFFFFF, v15;
	v9 =	vmax.f32 v9, v5;
	(pc) =	sbr.rel @p0 .LBB2_3-.Ltmp0, $4  }
0x2e: {  	v5 =	vld [tilespmem:s16+$0x60];
	v0 =	vmax.f32 v0, v9  }
0x2f: {  	v6 =	vand.u32 $0x7FFFFFFF, v6;
	v11 =	vld [tilespmem:s16+$0x20];
	v10 =	vand.u32 $0x7FFFFFFF, v10  }
0x30: {  	v9 =	vld [tilespmem:s16+$0x10];
	v6 =	vmax.f32 v10, v6  }
0x31: {  	s17 =	sadd.s32 $0x80, s17;
	s18 =	smov.u32 s21;
	v10 =	vld [tilespmem:s16+$0x0]  }
0x32: {  	v12 =	vld [tilespmem:s16+$0x30]  }
0x33: {  	v13 =	vld [tilespmem:s16+$0x440];
	v7 =	vand.u32 $0x7FFFFFFF, v7;
	v2 =	vand.u32 $0x7FFFFFFF, v2  }
0x34: {  	v1 =	vand.u32 $0x7FFFFFFF, v1;
	v3 =	vand.u32 $0x7FFFFFFF, v3;
	v4 =	vand.u32 $0x7FFFFFFF, v4  }
0x35: {  	v2 =	vmax.f32 v8, v2;
	v5 =	vand.u32 $0x7FFFFFFF, v5;
	v4 =	vmax.f32 v4, v7  }
0x36: {  	v11 =	vand.u32 $0x7FFFFFFF, v11;
	v3 =	vmax.f32 v5, v3;
	v2 =	vmax.f32 v6, v2  }
0x37: {  	v8 =	vand.u32 $0x7FFFFFFF, v9;
	v9 =	vand.u32 $0x7FFFFFFF, v10;
	v5 =	vand.u32 $0x7FFFFFFF, v12  }
0x38: {  	v6 =	vmax.f32 v9, v8;
	v7 =	vand.u32 $0x7FFFFFFF, v13;
	v5 =	vmax.f32 v11, v5  }
0x39: {  	v3 =	vmax.f32 v4, v3;
	v1 =	vmax.f32 v7, v1;
	v4 =	vmax.f32 v6, v5  }
0x3a: {  	p0 =	seq.s32 s14, $0x2F;
	v1 =	vmax.f32 v2, v1;
	v3 =	vmax.f32 v4, v3  }
0x3b: {  	s29 =	sshll.u32 s14, $0x5;
	s17 =	sshrl.u32 @!p0 s15, $0x3;
	v1 =	vmax.f32 v3, v1  }
0x3c: {  	s15 =	sand.u32 $0x3FFFFFE0, s29;
	s16 =	sadd.s32 @!p0 s3, s17;
	v0 =	vmax.f32 v0, v1  }
0x3d: {  	s17 =	simm.s32 @!p0 $0x0;
	s16 =	sadd.s32 @!p0 $0x3800, s16;
	[tilespmem:s15+$0x1C000] =	vst v0  }
0x3e: {  	[tilespmem:s17], [sflag:$0x1] =	stream.linear.gather @!p0 [hbm4b:s16+s17], $0xE000, $0x38;
	[tilespmem:$0x1C600] =	vst v63  }
0x3f: {  	s30 =	simm.s32 $0x0;
	_ =	swait.ge [sflag:s10], $0xE000  }
0x40: {  	s31 =	sand.u32 $0xF800, s30;
	s16 =	sand.u32 $0x380, s30;
	[sflag:s10] =	ssyncset.done $0x0  }
0x41: {  	s16 =	sor.u32 s16, s31;
	[sflag:s10] =	ssyncadd.s32 $0xFFFF2000  }
0x42: {  	v1 =	vld [tilespmem:s16+$0xE450]  }
0x43: {  	v2 =	vld [tilespmem:s16+$0xE430]  }
0x44: {  	v6 =	vld [tilespmem:s16+$0xE420]  }
0x45: {  	v0 =	vld [tilespmem:s16+$0xE410]  }
0x46: {  	v8 =	vld [tilespmem:s16+$0xE400]  }
0x47: {  	v3 =	vld [tilespmem:s16+$0xE070]  }
0x48: {  	v7 =	vld [tilespmem:s16+$0xE050]  }
0x49: {  	v4 =	vld [tilespmem:s16+$0xE040]  }
0x4a: {  	v5 =	vld [tilespmem:s16+$0xE060]  }
0x4b: {  	v11 =	vld [tilespmem:s16+$0xE020]  }
0x4c: {  	v9 =	vld [tilespmem:s16+$0xE010];
	v10 =	vand.u32 $0x7FFFFFFF, v8;
	v63 =	vand.u32 $0x7FFFFFFF, v0  }
0x4d: {  	s18 =	simm.s32 $0x100;
	s17 =	simm.s32 $0x80;
	v0 =	vimm.f32 $0.0e+00;
	v8 =	vand.u32 $0x7FFFFFFF, v6;
	v6 =	vmax.f32 v10, v63;
	v10 =	vld [tilespmem:s16+$0xE000]  }
.LBB2_5:
0x4e: {  	s21 =	smov.u32 s18  }
0x4f: {  	s19 =	sand.u32 $0xF800, s18;
	s20 =	sand.u32 $0x380, s17;
	v12 =	vld [tilespmem:s16+$0xE030];
	s21 =	sadd.s32 $0x100, s18  }
0x50: {  	p0 =	sne.s32 s18, $0xDF00;
	v7 =	vand.u32 $0x7FFFFFFF, v7;
	v2 =	vand.u32 $0x7FFFFFFF, v2;
	v14 =	vand.u32 $0x7FFFFFFF, v1;
	v13 =	vld [tilespmem:s16+$0xE440];
	s16 =	sor.u32 s20, s19  }
0x51: {  	v3 =	vand.u32 $0x7FFFFFFF, v3;
	v8 =	vmax.f32 v8, v2;
	v11 =	vand.u32 $0x7FFFFFFF, v11;
	v1 =	vld [tilespmem:s16+$0xE450]  }
0x52: {  	v4 =	vand.u32 $0x7FFFFFFF, v4;
	v5 =	vand.u32 $0x7FFFFFFF, v5;
	v9 =	vand.u32 $0x7FFFFFFF, v9;
	v2 =	vld [tilespmem:s16+$0xE430]  }
0x53: {  	v3 =	vmax.f32 v5, v3;
	v5 =	vmax.f32 v6, v8;
	v10 =	vand.u32 $0x7FFFFFFF, v10;
	v15 =	vld [tilespmem:s16+$0xE420]  }
0x54: {  	v4 =	vmax.f32 v4, v7;
	v8 =	vand.u32 $0x7FFFFFFF, v12;
	v9 =	vmax.f32 v10, v9;
	v6 =	vld [tilespmem:s16+$0xE410]  }
0x55: {  	v4 =	vmax.f32 v4, v3;
	v8 =	vmax.f32 v11, v8;
	v10 =	vld [tilespmem:s16+$0xE400];
	v7 =	vand.u32 $0x7FFFFFFF, v13  }
0x56: {  	v8 =	vmax.f32 v9, v8;
	v3 =	vld [tilespmem:s16+$0xE070];
	v11 =	vmax.f32 v7, v14  }
0x57: {  	v9 =	vmax.f32 v8, v4;
	v7 =	vld [tilespmem:s16+$0xE050];
	v5 =	vmax.f32 v5, v11  }
.Ltmp1:
0x58: {  	v4 =	vld [tilespmem:s16+$0xE040];
	v8 =	vand.u32 $0x7FFFFFFF, v15;
	v9 =	vmax.f32 v9, v5;
	(pc) =	sbr.rel @p0 .LBB2_5-.Ltmp1, $4  }
0x59: {  	v5 =	vld [tilespmem:s16+$0xE060];
	v0 =	vmax.f32 v0, v9  }
0x5a: {  	v6 =	vand.u32 $0x7FFFFFFF, v6;
	v11 =	vld [tilespmem:s16+$0xE020];
	v10 =	vand.u32 $0x7FFFFFFF, v10  }
0x5b: {  	v9 =	vld [tilespmem:s16+$0xE010];
	v6 =	vmax.f32 v10, v6  }
0x5c: {  	s17 =	sadd.s32 $0x80, s17;
	s18 =	smov.u32 s21;
	v10 =	vld [tilespmem:s16+$0xE000]  }
0x5d: {  	v12 =	vld [tilespmem:s16+$0xE030]  }
0x5e: {  	v13 =	vld [tilespmem:s16+$0xE440];
	v7 =	vand.u32 $0x7FFFFFFF, v7;
	v2 =	vand.u32 $0x7FFFFFFF, v2  }
0x5f: {  	v1 =	vand.u32 $0x7FFFFFFF, v1;
	v3 =	vand.u32 $0x7FFFFFFF, v3;
	v4 =	vand.u32 $0x7FFFFFFF, v4  }
0x60: {  	v2 =	vmax.f32 v8, v2;
	v5 =	vand.u32 $0x7FFFFFFF, v5;
	v4 =	vmax.f32 v4, v7  }
0x61: {  	v11 =	vand.u32 $0x7FFFFFFF, v11;
	v3 =	vmax.f32 v5, v3;
	v2 =	vmax.f32 v6, v2  }
0x62: {  	s14 =	sadd.s32 $0x1, s14;
	v58 =	vand.u32 $0x7FFFFFFF, v9;
	v59 =	vand.u32 $0x7FFFFFFF, v10;
	v60 =	vand.u32 $0x7FFFFFFF, v12  }
0x63: {  	p0 =	sne.s32 s14, $0x30;
	v61 =	vmax.f32 v59, v58;
	v62 =	vand.u32 $0x7FFFFFFF, v13;
	v5 =	vmax.f32 v11, v60  }
.Ltmp2:
0x64: {  	v3 =	vmax.f32 v4, v3;
	v1 =	vmax.f32 v62, v1;
	v63 =	vmax.f32 v61, v5;
	(pc) =	sbr.rel @p0 .LBB2_2-.Ltmp2, $4  }
0x65: {  	v1 =	vmax.f32 v2, v1;
	v3 =	vmax.f32 v63, v3  }
0x66: {  	v1 =	vmax.f32 v3, v1  }
0x67: {  	v0 =	vmax.f32 v0, v1  }
0x68: {  	[tilespmem:s15+$0x1C010] =	vst v0  }
0x69: {  	s13 =	sadd.s32 $0x1, s13  }
0x6a: {  	p0 =	sne.s32 s13, s7  }
.Ltmp3:
0x6b: {  	_ = 	snop;
	(pc) =	sbr.rel @p0 .LBB2_1-.Ltmp3, $4  }
0x6c: {  	[hbm4b:s6+s2] =	stream.linear.scatter [tilespmem:s11], [sflag:$0x3], $0x600, $0x38;
	[tilespmem:$0x1C600] =	vst v63  }
0x6d: {  	_ =	swait.ge [sflag:s12], $0x600  }
0x6e: {  	[sflag:s12] =	ssyncset.done $0x0  }
0x6f: {  	[sflag:s12] =	ssyncadd.s32 $0xFFFFFA00  }
0x70: {  	_ =	sfence.sel $0x180000  }
0x71: {  	[bflag:$0x0] =	sbarrier.arrive $0xFFFF  }
0x72: {  	p0 =	sne.s32 s0, $0x0;
	_ =	strace $0x90000047  }
0x73: {  	s0 =	sadd.s32 @!p0 $0x100000, s1;
	[bflag:$0x2] =	sbarrier.arrive $0xFFFF  }
0x74: {  	[sflag:s0] =	ssyncadd.tile.s32 @!p0 $0x1;
	_ =	shalt  }
.Lfunc_end2:
_tile_overlayer_lowered:
.L_overlay_start_2:
0x75: {  	(tag) =	ssettag $0x2  }
0x76: {  	s0 =	rddreg [dreg:$0x0];
	s2 =	stileid.u32  }
0x77: {  	s1 =	rddreg [dreg:$0x1];
	p0 =	sne.s32 s2, $0x0  }
0x78: {  	s3 =	rddreg [dreg:$0x2];
	[bflag:$0x3] =	sbarrier.arrive $0xFFFF;
	s2 =	simm.s32 @!p0 $0x1C03  }
0x79: {  	[timem:s3], [sflag:s2] =	dma.local @!p0 [hbm:s0], s1  }
0x7a: {  	s0 =	simm.s32 @!p0 $0x3  }
0x7b: {  	_ =	swait.ge @!p0 [sflag:s0], s1  }
0x7c: {  	s1 =	ssub.s32 @!p0 $0x0, s1;
	[sflag:s0] =	ssyncset.done @!p0 $0x0  }
0x7d: {  	[sflag:s0] =	ssyncadd.s32 @!p0 s1  }
0x7e: {  	[bflag:$0x3] =	sbarrier.arrive $0xFFFF  }
0x7f: {  	_ =	shalt  }

</sc_bundles>
